<compile_context>
chip_gen: v7x
topology: tpu7x:2x2x1
jax: 0.10.2.dev20260603
libtpu: 0.0.44.dev20260713+nightly
codegen_flags: <defaults>
</compile_context>

<pallas_src>
import functools

import numpy as np
import jax
import jax.numpy as jnp
from jax import lax
from jax.experimental import pallas as pl
from jax.experimental.pallas import tpu as pltpu
from jax.experimental.pallas import tpu_sc as plsc

VOCAB = 100000
EMBED = 128
BATCH = 4
SEQ = 2048
N = BATCH * SEQ

NUM_CORES = 2
NUM_SUBCORES = 16
NW = NUM_CORES * NUM_SUBCORES
BPW = N // NW
SPB = SEQ // BPW
CH = 32
NCH = BPW // CH
STG = 4 * BPW // NUM_SUBCORES


def _pos_encoding_np() -> np.ndarray:
    pos = np.arange(SEQ, dtype=np.float32)[:, None]
    _2i = np.arange(0, EMBED, 2, dtype=np.float32)
    angle = pos / np.power(10000.0, _2i / EMBED)
    enc = np.zeros((SEQ, EMBED), dtype=np.float32)
    enc[:, 0::2] = np.sin(angle)
    enc[:, 1::2] = np.cos(angle)
    return enc


_POS = _pos_encoding_np()
_POS_DEV = None


def _pos_device():
    global _POS_DEV
    if _POS_DEV is None:
        _POS_DEV = jnp.asarray(_POS)
    return _POS_DEV


_MESH = plsc.VectorSubcoreMesh(core_axis_name="c", subcore_axis_name="s")


@functools.partial(
    pl.kernel,
    out_type=jax.ShapeDtypeStruct((BATCH, SEQ, EMBED), jnp.float32),
    mesh=_MESH,
    scratch_types=[
        pltpu.VMEM((BPW,), jnp.int32),
        pltpu.VMEM((BPW, EMBED), jnp.float32),
        pltpu.VMEM_SHARED((4 * BPW, EMBED), jnp.float32),
        pltpu.SemaphoreType.DMA,
        [pltpu.SemaphoreType.DMA] * NCH,
        [pltpu.SemaphoreType.DMA] * NCH,
        pltpu.SemaphoreType.DMA,
    ],
)
def _emb_kernel(table_hbm, idx_hbm, pos_hbm, out_hbm,
                idx_v, rows_v, pos_sh, sem_i, sems_p, sems_g, sem_w):
    cidx = lax.axis_index("c")
    sidx = lax.axis_index("s")
    wid = sidx * NUM_CORES + cidx
    b = wid // SPB
    s0 = (wid % SPB) * BPW

    idx_cp = pltpu.async_copy(idx_hbm.at[b, pl.ds(s0, BPW)], idx_v, sem_i)

    q = sidx // 4
    src0 = lax.rem(2 * q + cidx, SPB) * BPW + lax.rem(sidx, 4) * STG
    pltpu.sync_copy(pos_hbm.at[pl.ds(src0, STG)], pos_sh.at[pl.ds(sidx * STG, STG)])
    plsc.subcore_barrier()

    p0 = lax.rem(sidx, 4) * BPW
    prefills = []
    for j in range(NCH):
        prefills.append(
            pltpu.async_copy(
                pos_sh.at[pl.ds(p0 + j * CH, CH)],
                rows_v.at[pl.ds(j * CH, CH)],
                sems_p[j],
            )
        )
    idx_cp.wait()

    gathers = []
    for j in range(NCH):
        prefills[j].wait()
        gathers.append(
            pltpu.async_copy(
                table_hbm.at[idx_v.at[pl.ds(j * CH, CH)]],
                rows_v.at[pl.ds(j * CH, CH)],
                sems_g[j],
                add=True,
            )
        )

    outs = []
    for j in range(NCH):
        gathers[j].wait()
        outs.append(
            pltpu.async_copy(
                rows_v.at[pl.ds(j * CH, CH)],
                out_hbm.at[b, pl.ds(s0 + j * CH, CH)],
                sem_w,
            )
        )
    for o in outs:
        o.wait()


@jax.jit
def _impl(x, table, pos):
    return _emb_kernel(table, x, pos)


def kernel(x, table):
    return _impl(x, table, _pos_device())

# --- scband reference (transcript-rebuilt; emitter-appended) ---
"""Pipeline reference for scband-transformer-embedding-21560735826356 (READ-ONLY COPY).

The authoritative reference and input builder live on the scoring server;
editing this copy changes nothing except your own understanding.
"""

import jax, jax.numpy as jnp
import numpy as np

VOCAB = 100000
EMBED = 128
MAX_LEN = 2048


def _pos_encoding(seq_len, embed_size):
    pos = jnp.arange(seq_len, dtype=jnp.float32)[:, None]
    _2i = jnp.arange(0, embed_size, 2, dtype=jnp.float32)
    angle = pos / jnp.power(10000.0, _2i / embed_size)
    enc = jnp.zeros((seq_len, embed_size), dtype=jnp.float32)
    enc = enc.at[:, 0::2].set(jnp.sin(angle))
    enc = enc.at[:, 1::2].set(jnp.cos(angle))
    return enc


def setup_inputs(seed: int = 0) -> dict:
    key = jax.random.key(seed)
    k1, k2 = jax.random.split(key)
    x = jax.random.randint(k1, (4, 2048), 0, VOCAB, dtype=jnp.int64 if jax.config.jax_enable_x64 else jnp.int32).astype(jnp.int32)
    table = jax.random.normal(k2, (VOCAB, EMBED), dtype=jnp.float32)
    table = table.at[1].set(0.0)  # padding_idx=1
    return {"x": x, "table": table}


def reference(x, table):
    # TokenEmbedding: gather rows of the embedding table (SparseCore gather)
    tok_emb = jnp.take(table, x, axis=0)  # [B, S, E]
    # PositionalEmbedding: constant sinusoidal encoding sliced to seq_len
    seq_len = x.shape[1]
    pos_emb = _pos_encoding(seq_len, EMBED)  # [S, E]
    out = tok_emb + pos_emb[None, :, :]
    # Dropout is identity in eval / reference mode
    return out

if __name__ == "__main__":
    import jax
    _d = setup_inputs()
    print(jax.jit(kernel)(*tuple(_d.values())))

</pallas_src>

<mosaic_0001>
#map = affine_map<(d0, d1) -> (0, 0)>
#map1 = affine_map<(d0, d1) -> (0, 0, 0)>
module attributes {stable_mosaic.version = 14 : i64} {
  func.func @_emb_kernel(%arg0: i32, %arg1: i32, %arg2: memref<100000x128xf32, #tpu.memory_space<hbm>>, %arg3: memref<4x2048xi32, #tpu.memory_space<hbm>>, %arg4: memref<2048x128xf32, #tpu.memory_space<hbm>>, %arg5: memref<4x2048x128xf32, #tpu.memory_space<hbm>>, %arg6: memref<256xi32, #tpu.memory_space<vmem>>, %arg7: memref<256x128xf32, #tpu.memory_space<vmem>>, %arg8: memref<1024x128xf32, #tpu.memory_space<vmem_shared>>, %arg9: memref<!tpu.dma_semaphore, #tpu.memory_space<semaphore_mem>>, %arg10: memref<!tpu.dma_semaphore, #tpu.memory_space<semaphore_mem>>, %arg11: memref<!tpu.dma_semaphore, #tpu.memory_space<semaphore_mem>>, %arg12: memref<!tpu.dma_semaphore, #tpu.memory_space<semaphore_mem>>, %arg13: memref<!tpu.dma_semaphore, #tpu.memory_space<semaphore_mem>>, %arg14: memref<!tpu.dma_semaphore, #tpu.memory_space<semaphore_mem>>, %arg15: memref<!tpu.dma_semaphore, #tpu.memory_space<semaphore_mem>>, %arg16: memref<!tpu.dma_semaphore, #tpu.memory_space<semaphore_mem>>, %arg17: memref<!tpu.dma_semaphore, #tpu.memory_space<semaphore_mem>>, %arg18: memref<!tpu.dma_semaphore, #tpu.memory_space<semaphore_mem>>, %arg19: memref<!tpu.dma_semaphore, #tpu.memory_space<semaphore_mem>>, %arg20: memref<!tpu.dma_semaphore, #tpu.memory_space<semaphore_mem>>, %arg21: memref<!tpu.dma_semaphore, #tpu.memory_space<semaphore_mem>>, %arg22: memref<!tpu.dma_semaphore, #tpu.memory_space<semaphore_mem>>, %arg23: memref<!tpu.dma_semaphore, #tpu.memory_space<semaphore_mem>>, %arg24: memref<!tpu.dma_semaphore, #tpu.memory_space<semaphore_mem>>, %arg25: memref<!tpu.dma_semaphore, #tpu.memory_space<semaphore_mem>>, %arg26: memref<!tpu.dma_semaphore, #tpu.memory_space<semaphore_mem>>) attributes {dimension_semantics = [#tpu.dimension_semantics<core_parallel>, #tpu.dimension_semantics<subcore_parallel>], iteration_bounds = array<i64: 2, 16>, scalar_prefetch = 0 : i64, scratch_operands = 21 : i64, tpu.core_type = #tpu.core_type<sc_vector_subcore>, window_params = [{transform_indices = #map}, {transform_indices = #map}, {transform_indices = #map}, {transform_indices = #map1}]} {
    %mul3A = arith.constant 2 : i32
    %mul3A_0 = arith.muli %arg1, %mul3A : i32
    %add3A = arith.addi %mul3A_0, %arg0 : i32
    %jit3A = arith.constant 8 : i32
    %div3A = arith.divsi %add3A, %jit3A : i32
    %sign3A = arith.constant 0 : i32
    %sign3A_1 = arith.cmpi sgt, %add3A, %sign3A : i32
    %sign3A_2 = arith.extui %sign3A_1 : i1 to i32
    %sign3A_3 = arith.constant 0 : i32
    %sign3A_4 = arith.cmpi slt, %add3A, %sign3A_3 : i32
    %sign3A_5 = arith.extui %sign3A_4 : i1 to i32
    %sign3A_6 = arith.subi %sign3A_2, %sign3A_5 : i32
    %sign3A_7 = arith.constant 0 : i32
    %sign3A_8 = arith.cmpi sgt, %jit3A, %sign3A_7 : i32
    %sign3A_9 = arith.extui %sign3A_8 : i1 to i32
    %sign3A_10 = arith.constant 0 : i32
    %sign3A_11 = arith.cmpi slt, %jit3A, %sign3A_10 : i32
    %sign3A_12 = arith.extui %sign3A_11 : i1 to i32
    %sign3A_13 = arith.subi %sign3A_9, %sign3A_12 : i32
    %ne3A = arith.cmpi ne, %sign3A_6, %sign3A_13 : i32
    %rem3A = arith.remsi %add3A, %jit3A : i32
    %ne3A_14 = arith.constant 0 : i32
    %ne3A_15 = arith.cmpi ne, %rem3A, %ne3A_14 : i32
    %and3A = arith.andi %ne3A, %ne3A_15 : i1
    %sub3A = arith.constant 1 : i32
    %sub3A_16 = arith.subi %div3A, %sub3A : i32
    %select_n3A = arith.select %and3A, %sub3A_16, %div3A : i32
    %jit3A_17 = arith.constant 8 : i32
    %eq3A = arith.constant 0 : i32
    %eq3A_18 = arith.cmpi eq, %jit3A_17, %eq3A : i32
    %jit3A_19 = arith.constant 1 : i32
    %select_n3A_20 = arith.select %eq3A_18, %jit3A_19, %jit3A_17 : i32
    %rem3A_21 = arith.remsi %add3A, %select_n3A_20 : i32
    %ne3A_22 = arith.constant 0 : i32
    %ne3A_23 = arith.cmpi ne, %rem3A_21, %ne3A_22 : i32
    %lt3A = arith.constant 0 : i32
    %lt3A_24 = arith.cmpi slt, %rem3A_21, %lt3A : i32
    %lt3A_25 = arith.constant 0 : i32
    %lt3A_26 = arith.cmpi slt, %select_n3A_20, %lt3A_25 : i32
    %ne3A_27 = arith.xori %lt3A_24, %lt3A_26 : i1
    %and3A_28 = arith.andi %ne3A_27, %ne3A_23 : i1
    %add3A_29 = arith.addi %rem3A_21, %select_n3A_20 : i32
    %select_n3A_30 = arith.select %and3A_28, %add3A_29, %rem3A_21 : i32
    %mul3A_31 = arith.constant 256 : i32
    %mul3A_32 = arith.muli %select_n3A_30, %mul3A_31 : i32
    %dma_start3A = tpu.memref_slice %arg3[%select_n3A, %mul3A_32] : memref<4x2048xi32, #tpu.memory_space<hbm>> -> memref<1x256xi32, #tpu.memory_space<hbm>>
    %dma_start3A_33 = tpu.memref_squeeze %dma_start3A : memref<1x256xi32, #tpu.memory_space<hbm>> -> memref<256xi32, #tpu.memory_space<hbm>>
    %dma_start3A_34 = tpu.memref_slice %arg3[%select_n3A, %mul3A_32] : memref<4x2048xi32, #tpu.memory_space<hbm>> -> memref<1x256xi32, #tpu.memory_space<hbm>>
    %dma_start3A_35 = tpu.memref_squeeze %dma_start3A_34 : memref<1x256xi32, #tpu.memory_space<hbm>> -> memref<256xi32, #tpu.memory_space<hbm>>
    tpu.enqueue_dma source(%dma_start3A_35 : memref<256xi32, #tpu.memory_space<hbm>>) target(%arg6 : memref<256xi32, #tpu.memory_space<vmem>>) target_semaphore(%arg9 : memref<!tpu.dma_semaphore, #tpu.memory_space<semaphore_mem>>)
    %jit3A_36 = arith.constant 4 : i32
    %div3A_37 = arith.divsi %arg1, %jit3A_36 : i32
    %sign3A_38 = arith.constant 0 : i32
    %sign3A_39 = arith.cmpi sgt, %arg1, %sign3A_38 : i32
    %sign3A_40 = arith.extui %sign3A_39 : i1 to i32
    %sign3A_41 = arith.constant 0 : i32
    %sign3A_42 = arith.cmpi slt, %arg1, %sign3A_41 : i32
    %sign3A_43 = arith.extui %sign3A_42 : i1 to i32
    %sign3A_44 = arith.subi %sign3A_40, %sign3A_43 : i32
    %sign3A_45 = arith.constant 0 : i32
    %sign3A_46 = arith.cmpi sgt, %jit3A_36, %sign3A_45 : i32
    %sign3A_47 = arith.extui %sign3A_46 : i1 to i32
    %sign3A_48 = arith.constant 0 : i32
    %sign3A_49 = arith.cmpi slt, %jit3A_36, %sign3A_48 : i32
    %sign3A_50 = arith.extui %sign3A_49 : i1 to i32
    %sign3A_51 = arith.subi %sign3A_47, %sign3A_50 : i32
    %ne3A_52 = arith.cmpi ne, %sign3A_44, %sign3A_51 : i32
    %rem3A_53 = arith.remsi %arg1, %jit3A_36 : i32
    %ne3A_54 = arith.constant 0 : i32
    %ne3A_55 = arith.cmpi ne, %rem3A_53, %ne3A_54 : i32
    %and3A_56 = arith.andi %ne3A_52, %ne3A_55 : i1
    %sub3A_57 = arith.constant 1 : i32
    %sub3A_58 = arith.subi %div3A_37, %sub3A_57 : i32
    %select_n3A_59 = arith.select %and3A_56, %sub3A_58, %div3A_37 : i32
    %mul3A_60 = arith.constant 2 : i32
    %mul3A_61 = arith.muli %mul3A_60, %select_n3A_59 : i32
    %add3A_62 = arith.addi %mul3A_61, %arg0 : i32
    %rem3A_63 = arith.constant 8 : i32
    %rem3A_64 = arith.remsi %add3A_62, %rem3A_63 : i32
    %mul3A_65 = arith.constant 256 : i32
    %mul3A_66 = arith.muli %rem3A_64, %mul3A_65 : i32
    %rem3A_67 = arith.constant 4 : i32
    %rem3A_68 = arith.remsi %arg1, %rem3A_67 : i32
    %mul3A_69 = arith.constant 64 : i32
    %mul3A_70 = arith.muli %rem3A_68, %mul3A_69 : i32
    %add3A_71 = arith.addi %mul3A_66, %mul3A_70 : i32
    %mul3A_72 = arith.constant 64 : i32
    %mul3A_73 = arith.muli %arg1, %mul3A_72 : i32
    "tpu.region"() ({
      %run_scoped3A = tpu.sem_alloc : memref<!tpu.dma_semaphore, #tpu.memory_space<semaphore_mem>>
      %dma_start3A_593 = arith.constant 0 : i32
      %dma_start3A_594 = tpu.memref_slice %arg8[%mul3A_73, %dma_start3A_593] : memref<1024x128xf32, #tpu.memory_space<vmem_shared>> -> memref<64x128xf32, #tpu.memory_space<vmem_shared>>
      %dma_start3A_595 = arith.constant 0 : i32
      %dma_start3A_596 = tpu.memref_slice %arg4[%add3A_71, %dma_start3A_595] : memref<2048x128xf32, #tpu.memory_space<hbm>> -> memref<64x128xf32, #tpu.memory_space<hbm>>
      tpu.enqueue_dma source(%dma_start3A_596 : memref<64x128xf32, #tpu.memory_space<hbm>>) target(%dma_start3A_594 : memref<64x128xf32, #tpu.memory_space<vmem_shared>>) target_semaphore(%run_scoped3A : memref<!tpu.dma_semaphore, #tpu.memory_space<semaphore_mem>>)
      %dma_wait3A_597 = arith.constant 0 : i32
      %dma_wait3A_598 = tpu.memref_slice %arg8[%mul3A_73, %dma_wait3A_597] : memref<1024x128xf32, #tpu.memory_space<vmem_shared>> -> memref<64x128xf32, #tpu.memory_space<vmem_shared>>
      %dma_wait3A_599 = arith.constant 0 : i32
      %dma_wait3A_600 = tpu.memref_slice %arg4[%add3A_71, %dma_wait3A_599] : memref<2048x128xf32, #tpu.memory_space<hbm>> -> memref<64x128xf32, #tpu.memory_space<hbm>>
      tpu.wait_dma2 semaphore(%run_scoped3A : memref<!tpu.dma_semaphore, #tpu.memory_space<semaphore_mem>>) src(%dma_wait3A_600 : memref<64x128xf32, #tpu.memory_space<hbm>>) dst(%dma_wait3A_598 : memref<64x128xf32, #tpu.memory_space<vmem_shared>>)
      tpu.yield
    }) : () -> ()
    %barrier3A = arith.constant 0 : index
    tpu.barrier barrier_id(%barrier3A)
    %rem3A_74 = arith.constant 4 : i32
    %rem3A_75 = arith.remsi %arg1, %rem3A_74 : i32
    %mul3A_76 = arith.constant 256 : i32
    %mul3A_77 = arith.muli %rem3A_75, %mul3A_76 : i32
    %add3A_78 = arith.constant 0 : i32
    %add3A_79 = arith.addi %mul3A_77, %add3A_78 : i32
    %dma_start3A_80 = arith.constant 0 : i32
    %dma_start3A_81 = arith.constant 0 : i32
    %dma_start3A_82 = tpu.memref_slice %arg7[%dma_start3A_80, %dma_start3A_81] : memref<256x128xf32, #tpu.memory_space<vmem>> -> memref<32x128xf32, #tpu.memory_space<vmem>>
    %dma_start3A_83 = arith.constant 0 : i32
    %dma_start3A_84 = tpu.memref_slice %arg8[%add3A_79, %dma_start3A_83] : memref<1024x128xf32, #tpu.memory_space<vmem_shared>> -> memref<32x128xf32, #tpu.memory_space<vmem_shared>>
    %dma_start3A_85 = arith.constant 0 : i32
    %dma_start3A_86 = arith.constant 0 : i32
    %dma_start3A_87 = tpu.memref_slice %arg7[%dma_start3A_85, %dma_start3A_86] : memref<256x128xf32, #tpu.memory_space<vmem>> -> memref<32x128xf32, #tpu.memory_space<vmem>>
    %dma_start3A_88 = arith.constant 0 : i32
    %dma_start3A_89 = tpu.memref_slice %arg8[%add3A_79, %dma_start3A_88] : memref<1024x128xf32, #tpu.memory_space<vmem_shared>> -> memref<32x128xf32, #tpu.memory_space<vmem_shared>>
    tpu.enqueue_dma source(%dma_start3A_89 : memref<32x128xf32, #tpu.memory_space<vmem_shared>>) target(%dma_start3A_87 : memref<32x128xf32, #tpu.memory_space<vmem>>) target_semaphore(%arg10 : memref<!tpu.dma_semaphore, #tpu.memory_space<semaphore_mem>>)
    %add3A_90 = arith.constant 32 : i32
    %add3A_91 = arith.addi %mul3A_77, %add3A_90 : i32
    %dma_start3A_92 = arith.constant 32 : i32
    %dma_start3A_93 = arith.constant 0 : i32
    %dma_start3A_94 = tpu.memref_slice %arg7[%dma_start3A_92, %dma_start3A_93] : memref<256x128xf32, #tpu.memory_space<vmem>> -> memref<32x128xf32, #tpu.memory_space<vmem>>
    %dma_start3A_95 = arith.constant 0 : i32
    %dma_start3A_96 = tpu.memref_slice %arg8[%add3A_91, %dma_start3A_95] : memref<1024x128xf32, #tpu.memory_space<vmem_shared>> -> memref<32x128xf32, #tpu.memory_space<vmem_shared>>
    %dma_start3A_97 = arith.constant 32 : i32
    %dma_start3A_98 = arith.constant 0 : i32
    %dma_start3A_99 = tpu.memref_slice %arg7[%dma_start3A_97, %dma_start3A_98] : memref<256x128xf32, #tpu.memory_space<vmem>> -> memref<32x128xf32, #tpu.memory_space<vmem>>
    %dma_start3A_100 = arith.constant 0 : i32
    %dma_start3A_101 = tpu.memref_slice %arg8[%add3A_91, %dma_start3A_100] : memref<1024x128xf32, #tpu.memory_space<vmem_shared>> -> memref<32x128xf32, #tpu.memory_space<vmem_shared>>
    tpu.enqueue_dma source(%dma_start3A_101 : memref<32x128xf32, #tpu.memory_space<vmem_shared>>) target(%dma_start3A_99 : memref<32x128xf32, #tpu.memory_space<vmem>>) target_semaphore(%arg11 : memref<!tpu.dma_semaphore, #tpu.memory_space<semaphore_mem>>)
    %add3A_102 = arith.constant 64 : i32
    %add3A_103 = arith.addi %mul3A_77, %add3A_102 : i32
    %dma_start3A_104 = arith.constant 64 : i32
    %dma_start3A_105 = arith.constant 0 : i32
    %dma_start3A_106 = tpu.memref_slice %arg7[%dma_start3A_104, %dma_start3A_105] : memref<256x128xf32, #tpu.memory_space<vmem>> -> memref<32x128xf32, #tpu.memory_space<vmem>>
    %dma_start3A_107 = arith.constant 0 : i32
    %dma_start3A_108 = tpu.memref_slice %arg8[%add3A_103, %dma_start3A_107] : memref<1024x128xf32, #tpu.memory_space<vmem_shared>> -> memref<32x128xf32, #tpu.memory_space<vmem_shared>>
    %dma_start3A_109 = arith.constant 64 : i32
    %dma_start3A_110 = arith.constant 0 : i32
    %dma_start3A_111 = tpu.memref_slice %arg7[%dma_start3A_109, %dma_start3A_110] : memref<256x128xf32, #tpu.memory_space<vmem>> -> memref<32x128xf32, #tpu.memory_space<vmem>>
    %dma_start3A_112 = arith.constant 0 : i32
    %dma_start3A_113 = tpu.memref_slice %arg8[%add3A_103, %dma_start3A_112] : memref<1024x128xf32, #tpu.memory_space<vmem_shared>> -> memref<32x128xf32, #tpu.memory_space<vmem_shared>>
    tpu.enqueue_dma source(%dma_start3A_113 : memref<32x128xf32, #tpu.memory_space<vmem_shared>>) target(%dma_start3A_111 : memref<32x128xf32, #tpu.memory_space<vmem>>) target_semaphore(%arg12 : memref<!tpu.dma_semaphore, #tpu.memory_space<semaphore_mem>>)
    %add3A_114 = arith.constant 96 : i32
    %add3A_115 = arith.addi %mul3A_77, %add3A_114 : i32
    %dma_start3A_116 = arith.constant 96 : i32
    %dma_start3A_117 = arith.constant 0 : i32
    %dma_start3A_118 = tpu.memref_slice %arg7[%dma_start3A_116, %dma_start3A_117] : memref<256x128xf32, #tpu.memory_space<vmem>> -> memref<32x128xf32, #tpu.memory_space<vmem>>
    %dma_start3A_119 = arith.constant 0 : i32
    %dma_start3A_120 = tpu.memref_slice %arg8[%add3A_115, %dma_start3A_119] : memref<1024x128xf32, #tpu.memory_space<vmem_shared>> -> memref<32x128xf32, #tpu.memory_space<vmem_shared>>
    %dma_start3A_121 = arith.constant 96 : i32
    %dma_start3A_122 = arith.constant 0 : i32
    %dma_start3A_123 = tpu.memref_slice %arg7[%dma_start3A_121, %dma_start3A_122] : memref<256x128xf32, #tpu.memory_space<vmem>> -> memref<32x128xf32, #tpu.memory_space<vmem>>
    %dma_start3A_124 = arith.constant 0 : i32
    %dma_start3A_125 = tpu.memref_slice %arg8[%add3A_115, %dma_start3A_124] : memref<1024x128xf32, #tpu.memory_space<vmem_shared>> -> memref<32x128xf32, #tpu.memory_space<vmem_shared>>
    tpu.enqueue_dma source(%dma_start3A_125 : memref<32x128xf32, #tpu.memory_space<vmem_shared>>) target(%dma_start3A_123 : memref<32x128xf32, #tpu.memory_space<vmem>>) target_semaphore(%arg13 : memref<!tpu.dma_semaphore, #tpu.memory_space<semaphore_mem>>)
    %add3A_126 = arith.constant 128 : i32
    %add3A_127 = arith.addi %mul3A_77, %add3A_126 : i32
    %dma_start3A_128 = arith.constant 128 : i32
    %dma_start3A_129 = arith.constant 0 : i32
    %dma_start3A_130 = tpu.memref_slice %arg7[%dma_start3A_128, %dma_start3A_129] : memref<256x128xf32, #tpu.memory_space<vmem>> -> memref<32x128xf32, #tpu.memory_space<vmem>>
    %dma_start3A_131 = arith.constant 0 : i32
    %dma_start3A_132 = tpu.memref_slice %arg8[%add3A_127, %dma_start3A_131] : memref<1024x128xf32, #tpu.memory_space<vmem_shared>> -> memref<32x128xf32, #tpu.memory_space<vmem_shared>>
    %dma_start3A_133 = arith.constant 128 : i32
    %dma_start3A_134 = arith.constant 0 : i32
    %dma_start3A_135 = tpu.memref_slice %arg7[%dma_start3A_133, %dma_start3A_134] : memref<256x128xf32, #tpu.memory_space<vmem>> -> memref<32x128xf32, #tpu.memory_space<vmem>>
    %dma_start3A_136 = arith.constant 0 : i32
    %dma_start3A_137 = tpu.memref_slice %arg8[%add3A_127, %dma_start3A_136] : memref<1024x128xf32, #tpu.memory_space<vmem_shared>> -> memref<32x128xf32, #tpu.memory_space<vmem_shared>>
    tpu.enqueue_dma source(%dma_start3A_137 : memref<32x128xf32, #tpu.memory_space<vmem_shared>>) target(%dma_start3A_135 : memref<32x128xf32, #tpu.memory_space<vmem>>) target_semaphore(%arg14 : memref<!tpu.dma_semaphore, #tpu.memory_space<semaphore_mem>>)
    %add3A_138 = arith.constant 160 : i32
    %add3A_139 = arith.addi %mul3A_77, %add3A_138 : i32
    %dma_start3A_140 = arith.constant 160 : i32
    %dma_start3A_141 = arith.constant 0 : i32
    %dma_start3A_142 = tpu.memref_slice %arg7[%dma_start3A_140, %dma_start3A_141] : memref<256x128xf32, #tpu.memory_space<vmem>> -> memref<32x128xf32, #tpu.memory_space<vmem>>
    %dma_start3A_143 = arith.constant 0 : i32
    %dma_start3A_144 = tpu.memref_slice %arg8[%add3A_139, %dma_start3A_143] : memref<1024x128xf32, #tpu.memory_space<vmem_shared>> -> memref<32x128xf32, #tpu.memory_space<vmem_shared>>
    %dma_start3A_145 = arith.constant 160 : i32
    %dma_start3A_146 = arith.constant 0 : i32
    %dma_start3A_147 = tpu.memref_slice %arg7[%dma_start3A_145, %dma_start3A_146] : memref<256x128xf32, #tpu.memory_space<vmem>> -> memref<32x128xf32, #tpu.memory_space<vmem>>
    %dma_start3A_148 = arith.constant 0 : i32
    %dma_start3A_149 = tpu.memref_slice %arg8[%add3A_139, %dma_start3A_148] : memref<1024x128xf32, #tpu.memory_space<vmem_shared>> -> memref<32x128xf32, #tpu.memory_space<vmem_shared>>
    tpu.enqueue_dma source(%dma_start3A_149 : memref<32x128xf32, #tpu.memory_space<vmem_shared>>) target(%dma_start3A_147 : memref<32x128xf32, #tpu.memory_space<vmem>>) target_semaphore(%arg15 : memref<!tpu.dma_semaphore, #tpu.memory_space<semaphore_mem>>)
    %add3A_150 = arith.constant 192 : i32
    %add3A_151 = arith.addi %mul3A_77, %add3A_150 : i32
    %dma_start3A_152 = arith.constant 192 : i32
    %dma_start3A_153 = arith.constant 0 : i32
    %dma_start3A_154 = tpu.memref_slice %arg7[%dma_start3A_152, %dma_start3A_153] : memref<256x128xf32, #tpu.memory_space<vmem>> -> memref<32x128xf32, #tpu.memory_space<vmem>>
    %dma_start3A_155 = arith.constant 0 : i32
    %dma_start3A_156 = tpu.memref_slice %arg8[%add3A_151, %dma_start3A_155] : memref<1024x128xf32, #tpu.memory_space<vmem_shared>> -> memref<32x128xf32, #tpu.memory_space<vmem_shared>>
    %dma_start3A_157 = arith.constant 192 : i32
    %dma_start3A_158 = arith.constant 0 : i32
    %dma_start3A_159 = tpu.memref_slice %arg7[%dma_start3A_157, %dma_start3A_158] : memref<256x128xf32, #tpu.memory_space<vmem>> -> memref<32x128xf32, #tpu.memory_space<vmem>>
    %dma_start3A_160 = arith.constant 0 : i32
    %dma_start3A_161 = tpu.memref_slice %arg8[%add3A_151, %dma_start3A_160] : memref<1024x128xf32, #tpu.memory_space<vmem_shared>> -> memref<32x128xf32, #tpu.memory_space<vmem_shared>>
    tpu.enqueue_dma source(%dma_start3A_161 : memref<32x128xf32, #tpu.memory_space<vmem_shared>>) target(%dma_start3A_159 : memref<32x128xf32, #tpu.memory_space<vmem>>) target_semaphore(%arg16 : memref<!tpu.dma_semaphore, #tpu.memory_space<semaphore_mem>>)
    %add3A_162 = arith.constant 224 : i32
    %add3A_163 = arith.addi %mul3A_77, %add3A_162 : i32
    %dma_start3A_164 = arith.constant 224 : i32
    %dma_start3A_165 = arith.constant 0 : i32
    %dma_start3A_166 = tpu.memref_slice %arg7[%dma_start3A_164, %dma_start3A_165] : memref<256x128xf32, #tpu.memory_space<vmem>> -> memref<32x128xf32, #tpu.memory_space<vmem>>
    %dma_start3A_167 = arith.constant 0 : i32
    %dma_start3A_168 = tpu.memref_slice %arg8[%add3A_163, %dma_start3A_167] : memref<1024x128xf32, #tpu.memory_space<vmem_shared>> -> memref<32x128xf32, #tpu.memory_space<vmem_shared>>
    %dma_start3A_169 = arith.constant 224 : i32
    %dma_start3A_170 = arith.constant 0 : i32
    %dma_start3A_171 = tpu.memref_slice %arg7[%dma_start3A_169, %dma_start3A_170] : memref<256x128xf32, #tpu.memory_space<vmem>> -> memref<32x128xf32, #tpu.memory_space<vmem>>
    %dma_start3A_172 = arith.constant 0 : i32
    %dma_start3A_173 = tpu.memref_slice %arg8[%add3A_163, %dma_start3A_172] : memref<1024x128xf32, #tpu.memory_space<vmem_shared>> -> memref<32x128xf32, #tpu.memory_space<vmem_shared>>
    tpu.enqueue_dma source(%dma_start3A_173 : memref<32x128xf32, #tpu.memory_space<vmem_shared>>) target(%dma_start3A_171 : memref<32x128xf32, #tpu.memory_space<vmem>>) target_semaphore(%arg17 : memref<!tpu.dma_semaphore, #tpu.memory_space<semaphore_mem>>)
    %dma_wait3A = tpu.memref_slice %arg3[%select_n3A, %mul3A_32] : memref<4x2048xi32, #tpu.memory_space<hbm>> -> memref<1x256xi32, #tpu.memory_space<hbm>>
    %dma_wait3A_174 = tpu.memref_squeeze %dma_wait3A : memref<1x256xi32, #tpu.memory_space<hbm>> -> memref<256xi32, #tpu.memory_space<hbm>>
    %dma_wait3A_175 = tpu.memref_slice %arg3[%select_n3A, %mul3A_32] : memref<4x2048xi32, #tpu.memory_space<hbm>> -> memref<1x256xi32, #tpu.memory_space<hbm>>
    %dma_wait3A_176 = tpu.memref_squeeze %dma_wait3A_175 : memref<1x256xi32, #tpu.memory_space<hbm>> -> memref<256xi32, #tpu.memory_space<hbm>>
    tpu.wait_dma2 semaphore(%arg9 : memref<!tpu.dma_semaphore, #tpu.memory_space<semaphore_mem>>) src(%dma_wait3A_176 : memref<256xi32, #tpu.memory_space<hbm>>) dst(%arg6 : memref<256xi32, #tpu.memory_space<vmem>>)
    %dma_wait3A_177 = arith.constant 0 : i32
    %dma_wait3A_178 = arith.constant 0 : i32
    %dma_wait3A_179 = tpu.memref_slice %arg7[%dma_wait3A_177, %dma_wait3A_178] : memref<256x128xf32, #tpu.memory_space<vmem>> -> memref<32x128xf32, #tpu.memory_space<vmem>>
    %dma_wait3A_180 = arith.constant 0 : i32
    %dma_wait3A_181 = tpu.memref_slice %arg8[%add3A_79, %dma_wait3A_180] : memref<1024x128xf32, #tpu.memory_space<vmem_shared>> -> memref<32x128xf32, #tpu.memory_space<vmem_shared>>
    %dma_wait3A_182 = arith.constant 0 : i32
    %dma_wait3A_183 = arith.constant 0 : i32
    %dma_wait3A_184 = tpu.memref_slice %arg7[%dma_wait3A_182, %dma_wait3A_183] : memref<256x128xf32, #tpu.memory_space<vmem>> -> memref<32x128xf32, #tpu.memory_space<vmem>>
    %dma_wait3A_185 = arith.constant 0 : i32
    %dma_wait3A_186 = tpu.memref_slice %arg8[%add3A_79, %dma_wait3A_185] : memref<1024x128xf32, #tpu.memory_space<vmem_shared>> -> memref<32x128xf32, #tpu.memory_space<vmem_shared>>
    tpu.wait_dma2 semaphore(%arg10 : memref<!tpu.dma_semaphore, #tpu.memory_space<semaphore_mem>>) src(%dma_wait3A_186 : memref<32x128xf32, #tpu.memory_space<vmem_shared>>) dst(%dma_wait3A_184 : memref<32x128xf32, #tpu.memory_space<vmem>>)
    %dma_start3A_187 = arith.constant 0 : i32
    %dma_start3A_188 = arith.constant 0 : i32
    %dma_start3A_189 = tpu.memref_slice %arg7[%dma_start3A_187, %dma_start3A_188] : memref<256x128xf32, #tpu.memory_space<vmem>> -> memref<32x128xf32, #tpu.memory_space<vmem>>
    %dma_start3A_190 = arith.constant 0 : i32
    %dma_start3A_191 = tpu.memref_slice %arg6[%dma_start3A_190] : memref<256xi32, #tpu.memory_space<vmem>> -> memref<32xi32, #tpu.memory_space<vmem>>
    %dma_start3A_192 = arith.constant 0 : i32
    %dma_start3A_193 = arith.constant 0 : i32
    %dma_start3A_194 = tpu.memref_slice %arg2[%dma_start3A_192, %dma_start3A_193] : memref<100000x128xf32, #tpu.memory_space<hbm>> -> memref<100000x128xf32, #tpu.memory_space<hbm>>
    tpu.enqueue_indirect_dma source(%dma_start3A_194 : memref<100000x128xf32, #tpu.memory_space<hbm>>) target(%dma_start3A_189 : memref<32x128xf32, #tpu.memory_space<vmem>>) offsets(%dma_start3A_191 : memref<32xi32, #tpu.memory_space<vmem>>) semaphore(%arg18 : memref<!tpu.dma_semaphore, #tpu.memory_space<semaphore_mem>>) {add = true}
    %dma_wait3A_195 = arith.constant 32 : i32
    %dma_wait3A_196 = arith.constant 0 : i32
    %dma_wait3A_197 = tpu.memref_slice %arg7[%dma_wait3A_195, %dma_wait3A_196] : memref<256x128xf32, #tpu.memory_space<vmem>> -> memref<32x128xf32, #tpu.memory_space<vmem>>
    %dma_wait3A_198 = arith.constant 0 : i32
    %dma_wait3A_199 = tpu.memref_slice %arg8[%add3A_91, %dma_wait3A_198] : memref<1024x128xf32, #tpu.memory_space<vmem_shared>> -> memref<32x128xf32, #tpu.memory_space<vmem_shared>>
    %dma_wait3A_200 = arith.constant 32 : i32
    %dma_wait3A_201 = arith.constant 0 : i32
    %dma_wait3A_202 = tpu.memref_slice %arg7[%dma_wait3A_200, %dma_wait3A_201] : memref<256x128xf32, #tpu.memory_space<vmem>> -> memref<32x128xf32, #tpu.memory_space<vmem>>
    %dma_wait3A_203 = arith.constant 0 : i32
    %dma_wait3A_204 = tpu.memref_slice %arg8[%add3A_91, %dma_wait3A_203] : memref<1024x128xf32, #tpu.memory_space<vmem_shared>> -> memref<32x128xf32, #tpu.memory_space<vmem_shared>>
    tpu.wait_dma2 semaphore(%arg11 : memref<!tpu.dma_semaphore, #tpu.memory_space<semaphore_mem>>) src(%dma_wait3A_204 : memref<32x128xf32, #tpu.memory_space<vmem_shared>>) dst(%dma_wait3A_202 : memref<32x128xf32, #tpu.memory_space<vmem>>)
    %dma_start3A_205 = arith.constant 32 : i32
    %dma_start3A_206 = arith.constant 0 : i32
    %dma_start3A_207 = tpu.memref_slice %arg7[%dma_start3A_205, %dma_start3A_206] : memref<256x128xf32, #tpu.memory_space<vmem>> -> memref<32x128xf32, #tpu.memory_space<vmem>>
    %dma_start3A_208 = arith.constant 32 : i32
    %dma_start3A_209 = tpu.memref_slice %arg6[%dma_start3A_208] : memref<256xi32, #tpu.memory_space<vmem>> -> memref<32xi32, #tpu.memory_space<vmem>>
    %dma_start3A_210 = arith.constant 0 : i32
    %dma_start3A_211 = arith.constant 0 : i32
    %dma_start3A_212 = tpu.memref_slice %arg2[%dma_start3A_210, %dma_start3A_211] : memref<100000x128xf32, #tpu.memory_space<hbm>> -> memref<100000x128xf32, #tpu.memory_space<hbm>>
    tpu.enqueue_indirect_dma source(%dma_start3A_212 : memref<100000x128xf32, #tpu.memory_space<hbm>>) target(%dma_start3A_207 : memref<32x128xf32, #tpu.memory_space<vmem>>) offsets(%dma_start3A_209 : memref<32xi32, #tpu.memory_space<vmem>>) semaphore(%arg19 : memref<!tpu.dma_semaphore, #tpu.memory_space<semaphore_mem>>) {add = true}
    %dma_wait3A_213 = arith.constant 64 : i32
    %dma_wait3A_214 = arith.constant 0 : i32
    %dma_wait3A_215 = tpu.memref_slice %arg7[%dma_wait3A_213, %dma_wait3A_214] : memref<256x128xf32, #tpu.memory_space<vmem>> -> memref<32x128xf32, #tpu.memory_space<vmem>>
    %dma_wait3A_216 = arith.constant 0 : i32
    %dma_wait3A_217 = tpu.memref_slice %arg8[%add3A_103, %dma_wait3A_216] : memref<1024x128xf32, #tpu.memory_space<vmem_shared>> -> memref<32x128xf32, #tpu.memory_space<vmem_shared>>
    %dma_wait3A_218 = arith.constant 64 : i32
    %dma_wait3A_219 = arith.constant 0 : i32
    %dma_wait3A_220 = tpu.memref_slice %arg7[%dma_wait3A_218, %dma_wait3A_219] : memref<256x128xf32, #tpu.memory_space<vmem>> -> memref<32x128xf32, #tpu.memory_space<vmem>>
    %dma_wait3A_221 = arith.constant 0 : i32
    %dma_wait3A_222 = tpu.memref_slice %arg8[%add3A_103, %dma_wait3A_221] : memref<1024x128xf32, #tpu.memory_space<vmem_shared>> -> memref<32x128xf32, #tpu.memory_space<vmem_shared>>
    tpu.wait_dma2 semaphore(%arg12 : memref<!tpu.dma_semaphore, #tpu.memory_space<semaphore_mem>>) src(%dma_wait3A_222 : memref<32x128xf32, #tpu.memory_space<vmem_shared>>) dst(%dma_wait3A_220 : memref<32x128xf32, #tpu.memory_space<vmem>>)
    %dma_start3A_223 = arith.constant 64 : i32
    %dma_start3A_224 = arith.constant 0 : i32
    %dma_start3A_225 = tpu.memref_slice %arg7[%dma_start3A_223, %dma_start3A_224] : memref<256x128xf32, #tpu.memory_space<vmem>> -> memref<32x128xf32, #tpu.memory_space<vmem>>
    %dma_start3A_226 = arith.constant 64 : i32
    %dma_start3A_227 = tpu.memref_slice %arg6[%dma_start3A_226] : memref<256xi32, #tpu.memory_space<vmem>> -> memref<32xi32, #tpu.memory_space<vmem>>
    %dma_start3A_228 = arith.constant 0 : i32
    %dma_start3A_229 = arith.constant 0 : i32
    %dma_start3A_230 = tpu.memref_slice %arg2[%dma_start3A_228, %dma_start3A_229] : memref<100000x128xf32, #tpu.memory_space<hbm>> -> memref<100000x128xf32, #tpu.memory_space<hbm>>
    tpu.enqueue_indirect_dma source(%dma_start3A_230 : memref<100000x128xf32, #tpu.memory_space<hbm>>) target(%dma_start3A_225 : memref<32x128xf32, #tpu.memory_space<vmem>>) offsets(%dma_start3A_227 : memref<32xi32, #tpu.memory_space<vmem>>) semaphore(%arg20 : memref<!tpu.dma_semaphore, #tpu.memory_space<semaphore_mem>>) {add = true}
    %dma_wait3A_231 = arith.constant 96 : i32
    %dma_wait3A_232 = arith.constant 0 : i32
    %dma_wait3A_233 = tpu.memref_slice %arg7[%dma_wait3A_231, %dma_wait3A_232] : memref<256x128xf32, #tpu.memory_space<vmem>> -> memref<32x128xf32, #tpu.memory_space<vmem>>
    %dma_wait3A_234 = arith.constant 0 : i32
    %dma_wait3A_235 = tpu.memref_slice %arg8[%add3A_115, %dma_wait3A_234] : memref<1024x128xf32, #tpu.memory_space<vmem_shared>> -> memref<32x128xf32, #tpu.memory_space<vmem_shared>>
    %dma_wait3A_236 = arith.constant 96 : i32
    %dma_wait3A_237 = arith.constant 0 : i32
    %dma_wait3A_238 = tpu.memref_slice %arg7[%dma_wait3A_236, %dma_wait3A_237] : memref<256x128xf32, #tpu.memory_space<vmem>> -> memref<32x128xf32, #tpu.memory_space<vmem>>
    %dma_wait3A_239 = arith.constant 0 : i32
    %dma_wait3A_240 = tpu.memref_slice %arg8[%add3A_115, %dma_wait3A_239] : memref<1024x128xf32, #tpu.memory_space<vmem_shared>> -> memref<32x128xf32, #tpu.memory_space<vmem_shared>>
    tpu.wait_dma2 semaphore(%arg13 : memref<!tpu.dma_semaphore, #tpu.memory_space<semaphore_mem>>) src(%dma_wait3A_240 : memref<32x128xf32, #tpu.memory_space<vmem_shared>>) dst(%dma_wait3A_238 : memref<32x128xf32, #tpu.memory_space<vmem>>)
    %dma_start3A_241 = arith.constant 96 : i32
    %dma_start3A_242 = arith.constant 0 : i32
    %dma_start3A_243 = tpu.memref_slice %arg7[%dma_start3A_241, %dma_start3A_242] : memref<256x128xf32, #tpu.memory_space<vmem>> -> memref<32x128xf32, #tpu.memory_space<vmem>>
    %dma_start3A_244 = arith.constant 96 : i32
    %dma_start3A_245 = tpu.memref_slice %arg6[%dma_start3A_244] : memref<256xi32, #tpu.memory_space<vmem>> -> memref<32xi32, #tpu.memory_space<vmem>>
    %dma_start3A_246 = arith.constant 0 : i32
    %dma_start3A_247 = arith.constant 0 : i32
    %dma_start3A_248 = tpu.memref_slice %arg2[%dma_start3A_246, %dma_start3A_247] : memref<100000x128xf32, #tpu.memory_space<hbm>> -> memref<100000x128xf32, #tpu.memory_space<hbm>>
    tpu.enqueue_indirect_dma source(%dma_start3A_248 : memref<100000x128xf32, #tpu.memory_space<hbm>>) target(%dma_start3A_243 : memref<32x128xf32, #tpu.memory_space<vmem>>) offsets(%dma_start3A_245 : memref<32xi32, #tpu.memory_space<vmem>>) semaphore(%arg21 : memref<!tpu.dma_semaphore, #tpu.memory_space<semaphore_mem>>) {add = true}
    %dma_wait3A_249 = arith.constant 128 : i32
    %dma_wait3A_250 = arith.constant 0 : i32
    %dma_wait3A_251 = tpu.memref_slice %arg7[%dma_wait3A_249, %dma_wait3A_250] : memref<256x128xf32, #tpu.memory_space<vmem>> -> memref<32x128xf32, #tpu.memory_space<vmem>>
    %dma_wait3A_252 = arith.constant 0 : i32
    %dma_wait3A_253 = tpu.memref_slice %arg8[%add3A_127, %dma_wait3A_252] : memref<1024x128xf32, #tpu.memory_space<vmem_shared>> -> memref<32x128xf32, #tpu.memory_space<vmem_shared>>
    %dma_wait3A_254 = arith.constant 128 : i32
    %dma_wait3A_255 = arith.constant 0 : i32
    %dma_wait3A_256 = tpu.memref_slice %arg7[%dma_wait3A_254, %dma_wait3A_255] : memref<256x128xf32, #tpu.memory_space<vmem>> -> memref<32x128xf32, #tpu.memory_space<vmem>>
    %dma_wait3A_257 = arith.constant 0 : i32
    %dma_wait3A_258 = tpu.memref_slice %arg8[%add3A_127, %dma_wait3A_257] : memref<1024x128xf32, #tpu.memory_space<vmem_shared>> -> memref<32x128xf32, #tpu.memory_space<vmem_shared>>
    tpu.wait_dma2 semaphore(%arg14 : memref<!tpu.dma_semaphore, #tpu.memory_space<semaphore_mem>>) src(%dma_wait3A_258 : memref<32x128xf32, #tpu.memory_space<vmem_shared>>) dst(%dma_wait3A_256 : memref<32x128xf32, #tpu.memory_space<vmem>>)
    %dma_start3A_259 = arith.constant 128 : i32
    %dma_start3A_260 = arith.constant 0 : i32
    %dma_start3A_261 = tpu.memref_slice %arg7[%dma_start3A_259, %dma_start3A_260] : memref<256x128xf32, #tpu.memory_space<vmem>> -> memref<32x128xf32, #tpu.memory_space<vmem>>
    %dma_start3A_262 = arith.constant 128 : i32
    %dma_start3A_263 = tpu.memref_slice %arg6[%dma_start3A_262] : memref<256xi32, #tpu.memory_space<vmem>> -> memref<32xi32, #tpu.memory_space<vmem>>
    %dma_start3A_264 = arith.constant 0 : i32
    %dma_start3A_265 = arith.constant 0 : i32
    %dma_start3A_266 = tpu.memref_slice %arg2[%dma_start3A_264, %dma_start3A_265] : memref<100000x128xf32, #tpu.memory_space<hbm>> -> memref<100000x128xf32, #tpu.memory_space<hbm>>
    tpu.enqueue_indirect_dma source(%dma_start3A_266 : memref<100000x128xf32, #tpu.memory_space<hbm>>) target(%dma_start3A_261 : memref<32x128xf32, #tpu.memory_space<vmem>>) offsets(%dma_start3A_263 : memref<32xi32, #tpu.memory_space<vmem>>) semaphore(%arg22 : memref<!tpu.dma_semaphore, #tpu.memory_space<semaphore_mem>>) {add = true}
    %dma_wait3A_267 = arith.constant 160 : i32
    %dma_wait3A_268 = arith.constant 0 : i32
    %dma_wait3A_269 = tpu.memref_slice %arg7[%dma_wait3A_267, %dma_wait3A_268] : memref<256x128xf32, #tpu.memory_space<vmem>> -> memref<32x128xf32, #tpu.memory_space<vmem>>
    %dma_wait3A_270 = arith.constant 0 : i32
    %dma_wait3A_271 = tpu.memref_slice %arg8[%add3A_139, %dma_wait3A_270] : memref<1024x128xf32, #tpu.memory_space<vmem_shared>> -> memref<32x128xf32, #tpu.memory_space<vmem_shared>>
    %dma_wait3A_272 = arith.constant 160 : i32
    %dma_wait3A_273 = arith.constant 0 : i32
    %dma_wait3A_274 = tpu.memref_slice %arg7[%dma_wait3A_272, %dma_wait3A_273] : memref<256x128xf32, #tpu.memory_space<vmem>> -> memref<32x128xf32, #tpu.memory_space<vmem>>
    %dma_wait3A_275 = arith.constant 0 : i32
    %dma_wait3A_276 = tpu.memref_slice %arg8[%add3A_139, %dma_wait3A_275] : memref<1024x128xf32, #tpu.memory_space<vmem_shared>> -> memref<32x128xf32, #tpu.memory_space<vmem_shared>>
    tpu.wait_dma2 semaphore(%arg15 : memref<!tpu.dma_semaphore, #tpu.memory_space<semaphore_mem>>) src(%dma_wait3A_276 : memref<32x128xf32, #tpu.memory_space<vmem_shared>>) dst(%dma_wait3A_274 : memref<32x128xf32, #tpu.memory_space<vmem>>)
    %dma_start3A_277 = arith.constant 160 : i32
    %dma_start3A_278 = arith.constant 0 : i32
    %dma_start3A_279 = tpu.memref_slice %arg7[%dma_start3A_277, %dma_start3A_278] : memref<256x128xf32, #tpu.memory_space<vmem>> -> memref<32x128xf32, #tpu.memory_space<vmem>>
    %dma_start3A_280 = arith.constant 160 : i32
    %dma_start3A_281 = tpu.memref_slice %arg6[%dma_start3A_280] : memref<256xi32, #tpu.memory_space<vmem>> -> memref<32xi32, #tpu.memory_space<vmem>>
    %dma_start3A_282 = arith.constant 0 : i32
    %dma_start3A_283 = arith.constant 0 : i32
    %dma_start3A_284 = tpu.memref_slice %arg2[%dma_start3A_282, %dma_start3A_283] : memref<100000x128xf32, #tpu.memory_space<hbm>> -> memref<100000x128xf32, #tpu.memory_space<hbm>>
    tpu.enqueue_indirect_dma source(%dma_start3A_284 : memref<100000x128xf32, #tpu.memory_space<hbm>>) target(%dma_start3A_279 : memref<32x128xf32, #tpu.memory_space<vmem>>) offsets(%dma_start3A_281 : memref<32xi32, #tpu.memory_space<vmem>>) semaphore(%arg23 : memref<!tpu.dma_semaphore, #tpu.memory_space<semaphore_mem>>) {add = true}
    %dma_wait3A_285 = arith.constant 192 : i32
    %dma_wait3A_286 = arith.constant 0 : i32
    %dma_wait3A_287 = tpu.memref_slice %arg7[%dma_wait3A_285, %dma_wait3A_286] : memref<256x128xf32, #tpu.memory_space<vmem>> -> memref<32x128xf32, #tpu.memory_space<vmem>>
    %dma_wait3A_288 = arith.constant 0 : i32
    %dma_wait3A_289 = tpu.memref_slice %arg8[%add3A_151, %dma_wait3A_288] : memref<1024x128xf32, #tpu.memory_space<vmem_shared>> -> memref<32x128xf32, #tpu.memory_space<vmem_shared>>
    %dma_wait3A_290 = arith.constant 192 : i32
    %dma_wait3A_291 = arith.constant 0 : i32
    %dma_wait3A_292 = tpu.memref_slice %arg7[%dma_wait3A_290, %dma_wait3A_291] : memref<256x128xf32, #tpu.memory_space<vmem>> -> memref<32x128xf32, #tpu.memory_space<vmem>>
    %dma_wait3A_293 = arith.constant 0 : i32
    %dma_wait3A_294 = tpu.memref_slice %arg8[%add3A_151, %dma_wait3A_293] : memref<1024x128xf32, #tpu.memory_space<vmem_shared>> -> memref<32x128xf32, #tpu.memory_space<vmem_shared>>
    tpu.wait_dma2 semaphore(%arg16 : memref<!tpu.dma_semaphore, #tpu.memory_space<semaphore_mem>>) src(%dma_wait3A_294 : memref<32x128xf32, #tpu.memory_space<vmem_shared>>) dst(%dma_wait3A_292 : memref<32x128xf32, #tpu.memory_space<vmem>>)
    %dma_start3A_295 = arith.constant 192 : i32
    %dma_start3A_296 = arith.constant 0 : i32
    %dma_start3A_297 = tpu.memref_slice %arg7[%dma_start3A_295, %dma_start3A_296] : memref<256x128xf32, #tpu.memory_space<vmem>> -> memref<32x128xf32, #tpu.memory_space<vmem>>
    %dma_start3A_298 = arith.constant 192 : i32
    %dma_start3A_299 = tpu.memref_slice %arg6[%dma_start3A_298] : memref<256xi32, #tpu.memory_space<vmem>> -> memref<32xi32, #tpu.memory_space<vmem>>
    %dma_start3A_300 = arith.constant 0 : i32
    %dma_start3A_301 = arith.constant 0 : i32
    %dma_start3A_302 = tpu.memref_slice %arg2[%dma_start3A_300, %dma_start3A_301] : memref<100000x128xf32, #tpu.memory_space<hbm>> -> memref<100000x128xf32, #tpu.memory_space<hbm>>
    tpu.enqueue_indirect_dma source(%dma_start3A_302 : memref<100000x128xf32, #tpu.memory_space<hbm>>) target(%dma_start3A_297 : memref<32x128xf32, #tpu.memory_space<vmem>>) offsets(%dma_start3A_299 : memref<32xi32, #tpu.memory_space<vmem>>) semaphore(%arg24 : memref<!tpu.dma_semaphore, #tpu.memory_space<semaphore_mem>>) {add = true}
    %dma_wait3A_303 = arith.constant 224 : i32
    %dma_wait3A_304 = arith.constant 0 : i32
    %dma_wait3A_305 = tpu.memref_slice %arg7[%dma_wait3A_303, %dma_wait3A_304] : memref<256x128xf32, #tpu.memory_space<vmem>> -> memref<32x128xf32, #tpu.memory_space<vmem>>
    %dma_wait3A_306 = arith.constant 0 : i32
    %dma_wait3A_307 = tpu.memref_slice %arg8[%add3A_163, %dma_wait3A_306] : memref<1024x128xf32, #tpu.memory_space<vmem_shared>> -> memref<32x128xf32, #tpu.memory_space<vmem_shared>>
    %dma_wait3A_308 = arith.constant 224 : i32
    %dma_wait3A_309 = arith.constant 0 : i32
    %dma_wait3A_310 = tpu.memref_slice %arg7[%dma_wait3A_308, %dma_wait3A_309] : memref<256x128xf32, #tpu.memory_space<vmem>> -> memref<32x128xf32, #tpu.memory_space<vmem>>
    %dma_wait3A_311 = arith.constant 0 : i32
    %dma_wait3A_312 = tpu.memref_slice %arg8[%add3A_163, %dma_wait3A_311] : memref<1024x128xf32, #tpu.memory_space<vmem_shared>> -> memref<32x128xf32, #tpu.memory_space<vmem_shared>>
    tpu.wait_dma2 semaphore(%arg17 : memref<!tpu.dma_semaphore, #tpu.memory_space<semaphore_mem>>) src(%dma_wait3A_312 : memref<32x128xf32, #tpu.memory_space<vmem_shared>>) dst(%dma_wait3A_310 : memref<32x128xf32, #tpu.memory_space<vmem>>)
    %dma_start3A_313 = arith.constant 224 : i32
    %dma_start3A_314 = arith.constant 0 : i32
    %dma_start3A_315 = tpu.memref_slice %arg7[%dma_start3A_313, %dma_start3A_314] : memref<256x128xf32, #tpu.memory_space<vmem>> -> memref<32x128xf32, #tpu.memory_space<vmem>>
    %dma_start3A_316 = arith.constant 224 : i32
    %dma_start3A_317 = tpu.memref_slice %arg6[%dma_start3A_316] : memref<256xi32, #tpu.memory_space<vmem>> -> memref<32xi32, #tpu.memory_space<vmem>>
    %dma_start3A_318 = arith.constant 0 : i32
    %dma_start3A_319 = arith.constant 0 : i32
    %dma_start3A_320 = tpu.memref_slice %arg2[%dma_start3A_318, %dma_start3A_319] : memref<100000x128xf32, #tpu.memory_space<hbm>> -> memref<100000x128xf32, #tpu.memory_space<hbm>>
    tpu.enqueue_indirect_dma source(%dma_start3A_320 : memref<100000x128xf32, #tpu.memory_space<hbm>>) target(%dma_start3A_315 : memref<32x128xf32, #tpu.memory_space<vmem>>) offsets(%dma_start3A_317 : memref<32xi32, #tpu.memory_space<vmem>>) semaphore(%arg25 : memref<!tpu.dma_semaphore, #tpu.memory_space<semaphore_mem>>) {add = true}
    %dma_wait3A_321 = arith.constant 0 : i32
    %dma_wait3A_322 = arith.constant 0 : i32
    %dma_wait3A_323 = tpu.memref_slice %arg7[%dma_wait3A_321, %dma_wait3A_322] : memref<256x128xf32, #tpu.memory_space<vmem>> -> memref<32x128xf32, #tpu.memory_space<vmem>>
    %dma_wait3A_324 = arith.constant 0 : i32
    %dma_wait3A_325 = tpu.memref_slice %arg6[%dma_wait3A_324] : memref<256xi32, #tpu.memory_space<vmem>> -> memref<32xi32, #tpu.memory_space<vmem>>
    %dma_wait3A_326 = arith.constant 0 : i32
    %dma_wait3A_327 = arith.constant 0 : i32
    %dma_wait3A_328 = tpu.memref_slice %arg2[%dma_wait3A_326, %dma_wait3A_327] : memref<100000x128xf32, #tpu.memory_space<hbm>> -> memref<100000x128xf32, #tpu.memory_space<hbm>>
    tpu.wait_indirect_dma semaphore(%arg18 : memref<!tpu.dma_semaphore, #tpu.memory_space<semaphore_mem>>) src(%dma_wait3A_328 : memref<100000x128xf32, #tpu.memory_space<hbm>>) dst(%dma_wait3A_323 : memref<32x128xf32, #tpu.memory_space<vmem>>)
    %add3A_329 = arith.constant 0 : i32
    %add3A_330 = arith.addi %mul3A_32, %add3A_329 : i32
    %dma_start3A_331 = arith.constant 0 : i32
    %dma_start3A_332 = arith.constant 0 : i32
    %dma_start3A_333 = tpu.memref_slice %arg7[%dma_start3A_331, %dma_start3A_332] : memref<256x128xf32, #tpu.memory_space<vmem>> -> memref<32x128xf32, #tpu.memory_space<vmem>>
    %dma_start3A_334 = arith.constant 0 : i32
    %dma_start3A_335 = tpu.memref_slice %arg5[%select_n3A, %add3A_330, %dma_start3A_334] : memref<4x2048x128xf32, #tpu.memory_space<hbm>> -> memref<1x32x128xf32, #tpu.memory_space<hbm>>
    %dma_start3A_336 = tpu.memref_squeeze %dma_start3A_335 : memref<1x32x128xf32, #tpu.memory_space<hbm>> -> memref<32x128xf32, #tpu.memory_space<hbm>>
    %dma_start3A_337 = arith.constant 0 : i32
    %dma_start3A_338 = tpu.memref_slice %arg5[%select_n3A, %add3A_330, %dma_start3A_337] : memref<4x2048x128xf32, #tpu.memory_space<hbm>> -> memref<1x32x128xf32, #tpu.memory_space<hbm>>
    %dma_start3A_339 = tpu.memref_squeeze %dma_start3A_338 : memref<1x32x128xf32, #tpu.memory_space<hbm>> -> memref<32x128xf32, #tpu.memory_space<hbm>>
    %dma_start3A_340 = arith.constant 0 : i32
    %dma_start3A_341 = arith.constant 0 : i32
    %dma_start3A_342 = tpu.memref_slice %arg7[%dma_start3A_340, %dma_start3A_341] : memref<256x128xf32, #tpu.memory_space<vmem>> -> memref<32x128xf32, #tpu.memory_space<vmem>>
    tpu.enqueue_dma source(%dma_start3A_342 : memref<32x128xf32, #tpu.memory_space<vmem>>) target(%dma_start3A_339 : memref<32x128xf32, #tpu.memory_space<hbm>>) target_semaphore(%arg26 : memref<!tpu.dma_semaphore, #tpu.memory_space<semaphore_mem>>)
    %dma_wait3A_343 = arith.constant 32 : i32
    %dma_wait3A_344 = arith.constant 0 : i32
    %dma_wait3A_345 = tpu.memref_slice %arg7[%dma_wait3A_343, %dma_wait3A_344] : memref<256x128xf32, #tpu.memory_space<vmem>> -> memref<32x128xf32, #tpu.memory_space<vmem>>
    %dma_wait3A_346 = arith.constant 32 : i32
    %dma_wait3A_347 = tpu.memref_slice %arg6[%dma_wait3A_346] : memref<256xi32, #tpu.memory_space<vmem>> -> memref<32xi32, #tpu.memory_space<vmem>>
    %dma_wait3A_348 = arith.constant 0 : i32
    %dma_wait3A_349 = arith.constant 0 : i32
    %dma_wait3A_350 = tpu.memref_slice %arg2[%dma_wait3A_348, %dma_wait3A_349] : memref<100000x128xf32, #tpu.memory_space<hbm>> -> memref<100000x128xf32, #tpu.memory_space<hbm>>
    tpu.wait_indirect_dma semaphore(%arg19 : memref<!tpu.dma_semaphore, #tpu.memory_space<semaphore_mem>>) src(%dma_wait3A_350 : memref<100000x128xf32, #tpu.memory_space<hbm>>) dst(%dma_wait3A_345 : memref<32x128xf32, #tpu.memory_space<vmem>>)
    %add3A_351 = arith.constant 32 : i32
    %add3A_352 = arith.addi %mul3A_32, %add3A_351 : i32
    %dma_start3A_353 = arith.constant 32 : i32
    %dma_start3A_354 = arith.constant 0 : i32
    %dma_start3A_355 = tpu.memref_slice %arg7[%dma_start3A_353, %dma_start3A_354] : memref<256x128xf32, #tpu.memory_space<vmem>> -> memref<32x128xf32, #tpu.memory_space<vmem>>
    %dma_start3A_356 = arith.constant 0 : i32
    %dma_start3A_357 = tpu.memref_slice %arg5[%select_n3A, %add3A_352, %dma_start3A_356] : memref<4x2048x128xf32, #tpu.memory_space<hbm>> -> memref<1x32x128xf32, #tpu.memory_space<hbm>>
    %dma_start3A_358 = tpu.memref_squeeze %dma_start3A_357 : memref<1x32x128xf32, #tpu.memory_space<hbm>> -> memref<32x128xf32, #tpu.memory_space<hbm>>
    %dma_start3A_359 = arith.constant 0 : i32
    %dma_start3A_360 = tpu.memref_slice %arg5[%select_n3A, %add3A_352, %dma_start3A_359] : memref<4x2048x128xf32, #tpu.memory_space<hbm>> -> memref<1x32x128xf32, #tpu.memory_space<hbm>>
    %dma_start3A_361 = tpu.memref_squeeze %dma_start3A_360 : memref<1x32x128xf32, #tpu.memory_space<hbm>> -> memref<32x128xf32, #tpu.memory_space<hbm>>
    %dma_start3A_362 = arith.constant 32 : i32
    %dma_start3A_363 = arith.constant 0 : i32
    %dma_start3A_364 = tpu.memref_slice %arg7[%dma_start3A_362, %dma_start3A_363] : memref<256x128xf32, #tpu.memory_space<vmem>> -> memref<32x128xf32, #tpu.memory_space<vmem>>
    tpu.enqueue_dma source(%dma_start3A_364 : memref<32x128xf32, #tpu.memory_space<vmem>>) target(%dma_start3A_361 : memref<32x128xf32, #tpu.memory_space<hbm>>) target_semaphore(%arg26 : memref<!tpu.dma_semaphore, #tpu.memory_space<semaphore_mem>>)
    %dma_wait3A_365 = arith.constant 64 : i32
    %dma_wait3A_366 = arith.constant 0 : i32
    %dma_wait3A_367 = tpu.memref_slice %arg7[%dma_wait3A_365, %dma_wait3A_366] : memref<256x128xf32, #tpu.memory_space<vmem>> -> memref<32x128xf32, #tpu.memory_space<vmem>>
    %dma_wait3A_368 = arith.constant 64 : i32
    %dma_wait3A_369 = tpu.memref_slice %arg6[%dma_wait3A_368] : memref<256xi32, #tpu.memory_space<vmem>> -> memref<32xi32, #tpu.memory_space<vmem>>
    %dma_wait3A_370 = arith.constant 0 : i32
    %dma_wait3A_371 = arith.constant 0 : i32
    %dma_wait3A_372 = tpu.memref_slice %arg2[%dma_wait3A_370, %dma_wait3A_371] : memref<100000x128xf32, #tpu.memory_space<hbm>> -> memref<100000x128xf32, #tpu.memory_space<hbm>>
    tpu.wait_indirect_dma semaphore(%arg20 : memref<!tpu.dma_semaphore, #tpu.memory_space<semaphore_mem>>) src(%dma_wait3A_372 : memref<100000x128xf32, #tpu.memory_space<hbm>>) dst(%dma_wait3A_367 : memref<32x128xf32, #tpu.memory_space<vmem>>)
    %add3A_373 = arith.constant 64 : i32
    %add3A_374 = arith.addi %mul3A_32, %add3A_373 : i32
    %dma_start3A_375 = arith.constant 64 : i32
    %dma_start3A_376 = arith.constant 0 : i32
    %dma_start3A_377 = tpu.memref_slice %arg7[%dma_start3A_375, %dma_start3A_376] : memref<256x128xf32, #tpu.memory_space<vmem>> -> memref<32x128xf32, #tpu.memory_space<vmem>>
    %dma_start3A_378 = arith.constant 0 : i32
    %dma_start3A_379 = tpu.memref_slice %arg5[%select_n3A, %add3A_374, %dma_start3A_378] : memref<4x2048x128xf32, #tpu.memory_space<hbm>> -> memref<1x32x128xf32, #tpu.memory_space<hbm>>
    %dma_start3A_380 = tpu.memref_squeeze %dma_start3A_379 : memref<1x32x128xf32, #tpu.memory_space<hbm>> -> memref<32x128xf32, #tpu.memory_space<hbm>>
    %dma_start3A_381 = arith.constant 0 : i32
    %dma_start3A_382 = tpu.memref_slice %arg5[%select_n3A, %add3A_374, %dma_start3A_381] : memref<4x2048x128xf32, #tpu.memory_space<hbm>> -> memref<1x32x128xf32, #tpu.memory_space<hbm>>
    %dma_start3A_383 = tpu.memref_squeeze %dma_start3A_382 : memref<1x32x128xf32, #tpu.memory_space<hbm>> -> memref<32x128xf32, #tpu.memory_space<hbm>>
    %dma_start3A_384 = arith.constant 64 : i32
    %dma_start3A_385 = arith.constant 0 : i32
    %dma_start3A_386 = tpu.memref_slice %arg7[%dma_start3A_384, %dma_start3A_385] : memref<256x128xf32, #tpu.memory_space<vmem>> -> memref<32x128xf32, #tpu.memory_space<vmem>>
    tpu.enqueue_dma source(%dma_start3A_386 : memref<32x128xf32, #tpu.memory_space<vmem>>) target(%dma_start3A_383 : memref<32x128xf32, #tpu.memory_space<hbm>>) target_semaphore(%arg26 : memref<!tpu.dma_semaphore, #tpu.memory_space<semaphore_mem>>)
    %dma_wait3A_387 = arith.constant 96 : i32
    %dma_wait3A_388 = arith.constant 0 : i32
    %dma_wait3A_389 = tpu.memref_slice %arg7[%dma_wait3A_387, %dma_wait3A_388] : memref<256x128xf32, #tpu.memory_space<vmem>> -> memref<32x128xf32, #tpu.memory_space<vmem>>
    %dma_wait3A_390 = arith.constant 96 : i32
    %dma_wait3A_391 = tpu.memref_slice %arg6[%dma_wait3A_390] : memref<256xi32, #tpu.memory_space<vmem>> -> memref<32xi32, #tpu.memory_space<vmem>>
    %dma_wait3A_392 = arith.constant 0 : i32
    %dma_wait3A_393 = arith.constant 0 : i32
    %dma_wait3A_394 = tpu.memref_slice %arg2[%dma_wait3A_392, %dma_wait3A_393] : memref<100000x128xf32, #tpu.memory_space<hbm>> -> memref<100000x128xf32, #tpu.memory_space<hbm>>
    tpu.wait_indirect_dma semaphore(%arg21 : memref<!tpu.dma_semaphore, #tpu.memory_space<semaphore_mem>>) src(%dma_wait3A_394 : memref<100000x128xf32, #tpu.memory_space<hbm>>) dst(%dma_wait3A_389 : memref<32x128xf32, #tpu.memory_space<vmem>>)
    %add3A_395 = arith.constant 96 : i32
    %add3A_396 = arith.addi %mul3A_32, %add3A_395 : i32
    %dma_start3A_397 = arith.constant 96 : i32
    %dma_start3A_398 = arith.constant 0 : i32
    %dma_start3A_399 = tpu.memref_slice %arg7[%dma_start3A_397, %dma_start3A_398] : memref<256x128xf32, #tpu.memory_space<vmem>> -> memref<32x128xf32, #tpu.memory_space<vmem>>
    %dma_start3A_400 = arith.constant 0 : i32
    %dma_start3A_401 = tpu.memref_slice %arg5[%select_n3A, %add3A_396, %dma_start3A_400] : memref<4x2048x128xf32, #tpu.memory_space<hbm>> -> memref<1x32x128xf32, #tpu.memory_space<hbm>>
    %dma_start3A_402 = tpu.memref_squeeze %dma_start3A_401 : memref<1x32x128xf32, #tpu.memory_space<hbm>> -> memref<32x128xf32, #tpu.memory_space<hbm>>
    %dma_start3A_403 = arith.constant 0 : i32
    %dma_start3A_404 = tpu.memref_slice %arg5[%select_n3A, %add3A_396, %dma_start3A_403] : memref<4x2048x128xf32, #tpu.memory_space<hbm>> -> memref<1x32x128xf32, #tpu.memory_space<hbm>>
    %dma_start3A_405 = tpu.memref_squeeze %dma_start3A_404 : memref<1x32x128xf32, #tpu.memory_space<hbm>> -> memref<32x128xf32, #tpu.memory_space<hbm>>
    %dma_start3A_406 = arith.constant 96 : i32
    %dma_start3A_407 = arith.constant 0 : i32
    %dma_start3A_408 = tpu.memref_slice %arg7[%dma_start3A_406, %dma_start3A_407] : memref<256x128xf32, #tpu.memory_space<vmem>> -> memref<32x128xf32, #tpu.memory_space<vmem>>
    tpu.enqueue_dma source(%dma_start3A_408 : memref<32x128xf32, #tpu.memory_space<vmem>>) target(%dma_start3A_405 : memref<32x128xf32, #tpu.memory_space<hbm>>) target_semaphore(%arg26 : memref<!tpu.dma_semaphore, #tpu.memory_space<semaphore_mem>>)
    %dma_wait3A_409 = arith.constant 128 : i32
    %dma_wait3A_410 = arith.constant 0 : i32
    %dma_wait3A_411 = tpu.memref_slice %arg7[%dma_wait3A_409, %dma_wait3A_410] : memref<256x128xf32, #tpu.memory_space<vmem>> -> memref<32x128xf32, #tpu.memory_space<vmem>>
    %dma_wait3A_412 = arith.constant 128 : i32
    %dma_wait3A_413 = tpu.memref_slice %arg6[%dma_wait3A_412] : memref<256xi32, #tpu.memory_space<vmem>> -> memref<32xi32, #tpu.memory_space<vmem>>
    %dma_wait3A_414 = arith.constant 0 : i32
    %dma_wait3A_415 = arith.constant 0 : i32
    %dma_wait3A_416 = tpu.memref_slice %arg2[%dma_wait3A_414, %dma_wait3A_415] : memref<100000x128xf32, #tpu.memory_space<hbm>> -> memref<100000x128xf32, #tpu.memory_space<hbm>>
    tpu.wait_indirect_dma semaphore(%arg22 : memref<!tpu.dma_semaphore, #tpu.memory_space<semaphore_mem>>) src(%dma_wait3A_416 : memref<100000x128xf32, #tpu.memory_space<hbm>>) dst(%dma_wait3A_411 : memref<32x128xf32, #tpu.memory_space<vmem>>)
    %add3A_417 = arith.constant 128 : i32
    %add3A_418 = arith.addi %mul3A_32, %add3A_417 : i32
    %dma_start3A_419 = arith.constant 128 : i32
    %dma_start3A_420 = arith.constant 0 : i32
    %dma_start3A_421 = tpu.memref_slice %arg7[%dma_start3A_419, %dma_start3A_420] : memref<256x128xf32, #tpu.memory_space<vmem>> -> memref<32x128xf32, #tpu.memory_space<vmem>>
    %dma_start3A_422 = arith.constant 0 : i32
    %dma_start3A_423 = tpu.memref_slice %arg5[%select_n3A, %add3A_418, %dma_start3A_422] : memref<4x2048x128xf32, #tpu.memory_space<hbm>> -> memref<1x32x128xf32, #tpu.memory_space<hbm>>
    %dma_start3A_424 = tpu.memref_squeeze %dma_start3A_423 : memref<1x32x128xf32, #tpu.memory_space<hbm>> -> memref<32x128xf32, #tpu.memory_space<hbm>>
    %dma_start3A_425 = arith.constant 0 : i32
    %dma_start3A_426 = tpu.memref_slice %arg5[%select_n3A, %add3A_418, %dma_start3A_425] : memref<4x2048x128xf32, #tpu.memory_space<hbm>> -> memref<1x32x128xf32, #tpu.memory_space<hbm>>
    %dma_start3A_427 = tpu.memref_squeeze %dma_start3A_426 : memref<1x32x128xf32, #tpu.memory_space<hbm>> -> memref<32x128xf32, #tpu.memory_space<hbm>>
    %dma_start3A_428 = arith.constant 128 : i32
    %dma_start3A_429 = arith.constant 0 : i32
    %dma_start3A_430 = tpu.memref_slice %arg7[%dma_start3A_428, %dma_start3A_429] : memref<256x128xf32, #tpu.memory_space<vmem>> -> memref<32x128xf32, #tpu.memory_space<vmem>>
    tpu.enqueue_dma source(%dma_start3A_430 : memref<32x128xf32, #tpu.memory_space<vmem>>) target(%dma_start3A_427 : memref<32x128xf32, #tpu.memory_space<hbm>>) target_semaphore(%arg26 : memref<!tpu.dma_semaphore, #tpu.memory_space<semaphore_mem>>)
    %dma_wait3A_431 = arith.constant 160 : i32
    %dma_wait3A_432 = arith.constant 0 : i32
    %dma_wait3A_433 = tpu.memref_slice %arg7[%dma_wait3A_431, %dma_wait3A_432] : memref<256x128xf32, #tpu.memory_space<vmem>> -> memref<32x128xf32, #tpu.memory_space<vmem>>
    %dma_wait3A_434 = arith.constant 160 : i32
    %dma_wait3A_435 = tpu.memref_slice %arg6[%dma_wait3A_434] : memref<256xi32, #tpu.memory_space<vmem>> -> memref<32xi32, #tpu.memory_space<vmem>>
    %dma_wait3A_436 = arith.constant 0 : i32
    %dma_wait3A_437 = arith.constant 0 : i32
    %dma_wait3A_438 = tpu.memref_slice %arg2[%dma_wait3A_436, %dma_wait3A_437] : memref<100000x128xf32, #tpu.memory_space<hbm>> -> memref<100000x128xf32, #tpu.memory_space<hbm>>
    tpu.wait_indirect_dma semaphore(%arg23 : memref<!tpu.dma_semaphore, #tpu.memory_space<semaphore_mem>>) src(%dma_wait3A_438 : memref<100000x128xf32, #tpu.memory_space<hbm>>) dst(%dma_wait3A_433 : memref<32x128xf32, #tpu.memory_space<vmem>>)
    %add3A_439 = arith.constant 160 : i32
    %add3A_440 = arith.addi %mul3A_32, %add3A_439 : i32
    %dma_start3A_441 = arith.constant 160 : i32
    %dma_start3A_442 = arith.constant 0 : i32
    %dma_start3A_443 = tpu.memref_slice %arg7[%dma_start3A_441, %dma_start3A_442] : memref<256x128xf32, #tpu.memory_space<vmem>> -> memref<32x128xf32, #tpu.memory_space<vmem>>
    %dma_start3A_444 = arith.constant 0 : i32
    %dma_start3A_445 = tpu.memref_slice %arg5[%select_n3A, %add3A_440, %dma_start3A_444] : memref<4x2048x128xf32, #tpu.memory_space<hbm>> -> memref<1x32x128xf32, #tpu.memory_space<hbm>>
    %dma_start3A_446 = tpu.memref_squeeze %dma_start3A_445 : memref<1x32x128xf32, #tpu.memory_space<hbm>> -> memref<32x128xf32, #tpu.memory_space<hbm>>
    %dma_start3A_447 = arith.constant 0 : i32
    %dma_start3A_448 = tpu.memref_slice %arg5[%select_n3A, %add3A_440, %dma_start3A_447] : memref<4x2048x128xf32, #tpu.memory_space<hbm>> -> memref<1x32x128xf32, #tpu.memory_space<hbm>>
    %dma_start3A_449 = tpu.memref_squeeze %dma_start3A_448 : memref<1x32x128xf32, #tpu.memory_space<hbm>> -> memref<32x128xf32, #tpu.memory_space<hbm>>
    %dma_start3A_450 = arith.constant 160 : i32
    %dma_start3A_451 = arith.constant 0 : i32
    %dma_start3A_452 = tpu.memref_slice %arg7[%dma_start3A_450, %dma_start3A_451] : memref<256x128xf32, #tpu.memory_space<vmem>> -> memref<32x128xf32, #tpu.memory_space<vmem>>
    tpu.enqueue_dma source(%dma_start3A_452 : memref<32x128xf32, #tpu.memory_space<vmem>>) target(%dma_start3A_449 : memref<32x128xf32, #tpu.memory_space<hbm>>) target_semaphore(%arg26 : memref<!tpu.dma_semaphore, #tpu.memory_space<semaphore_mem>>)
    %dma_wait3A_453 = arith.constant 192 : i32
    %dma_wait3A_454 = arith.constant 0 : i32
    %dma_wait3A_455 = tpu.memref_slice %arg7[%dma_wait3A_453, %dma_wait3A_454] : memref<256x128xf32, #tpu.memory_space<vmem>> -> memref<32x128xf32, #tpu.memory_space<vmem>>
    %dma_wait3A_456 = arith.constant 192 : i32
    %dma_wait3A_457 = tpu.memref_slice %arg6[%dma_wait3A_456] : memref<256xi32, #tpu.memory_space<vmem>> -> memref<32xi32, #tpu.memory_space<vmem>>
    %dma_wait3A_458 = arith.constant 0 : i32
    %dma_wait3A_459 = arith.constant 0 : i32
    %dma_wait3A_460 = tpu.memref_slice %arg2[%dma_wait3A_458, %dma_wait3A_459] : memref<100000x128xf32, #tpu.memory_space<hbm>> -> memref<100000x128xf32, #tpu.memory_space<hbm>>
    tpu.wait_indirect_dma semaphore(%arg24 : memref<!tpu.dma_semaphore, #tpu.memory_space<semaphore_mem>>) src(%dma_wait3A_460 : memref<100000x128xf32, #tpu.memory_space<hbm>>) dst(%dma_wait3A_455 : memref<32x128xf32, #tpu.memory_space<vmem>>)
    %add3A_461 = arith.constant 192 : i32
    %add3A_462 = arith.addi %mul3A_32, %add3A_461 : i32
    %dma_start3A_463 = arith.constant 192 : i32
    %dma_start3A_464 = arith.constant 0 : i32
    %dma_start3A_465 = tpu.memref_slice %arg7[%dma_start3A_463, %dma_start3A_464] : memref<256x128xf32, #tpu.memory_space<vmem>> -> memref<32x128xf32, #tpu.memory_space<vmem>>
    %dma_start3A_466 = arith.constant 0 : i32
    %dma_start3A_467 = tpu.memref_slice %arg5[%select_n3A, %add3A_462, %dma_start3A_466] : memref<4x2048x128xf32, #tpu.memory_space<hbm>> -> memref<1x32x128xf32, #tpu.memory_space<hbm>>
    %dma_start3A_468 = tpu.memref_squeeze %dma_start3A_467 : memref<1x32x128xf32, #tpu.memory_space<hbm>> -> memref<32x128xf32, #tpu.memory_space<hbm>>
    %dma_start3A_469 = arith.constant 0 : i32
    %dma_start3A_470 = tpu.memref_slice %arg5[%select_n3A, %add3A_462, %dma_start3A_469] : memref<4x2048x128xf32, #tpu.memory_space<hbm>> -> memref<1x32x128xf32, #tpu.memory_space<hbm>>
    %dma_start3A_471 = tpu.memref_squeeze %dma_start3A_470 : memref<1x32x128xf32, #tpu.memory_space<hbm>> -> memref<32x128xf32, #tpu.memory_space<hbm>>
    %dma_start3A_472 = arith.constant 192 : i32
    %dma_start3A_473 = arith.constant 0 : i32
    %dma_start3A_474 = tpu.memref_slice %arg7[%dma_start3A_472, %dma_start3A_473] : memref<256x128xf32, #tpu.memory_space<vmem>> -> memref<32x128xf32, #tpu.memory_space<vmem>>
    tpu.enqueue_dma source(%dma_start3A_474 : memref<32x128xf32, #tpu.memory_space<vmem>>) target(%dma_start3A_471 : memref<32x128xf32, #tpu.memory_space<hbm>>) target_semaphore(%arg26 : memref<!tpu.dma_semaphore, #tpu.memory_space<semaphore_mem>>)
    %dma_wait3A_475 = arith.constant 224 : i32
    %dma_wait3A_476 = arith.constant 0 : i32
    %dma_wait3A_477 = tpu.memref_slice %arg7[%dma_wait3A_475, %dma_wait3A_476] : memref<256x128xf32, #tpu.memory_space<vmem>> -> memref<32x128xf32, #tpu.memory_space<vmem>>
    %dma_wait3A_478 = arith.constant 224 : i32
    %dma_wait3A_479 = tpu.memref_slice %arg6[%dma_wait3A_478] : memref<256xi32, #tpu.memory_space<vmem>> -> memref<32xi32, #tpu.memory_space<vmem>>
    %dma_wait3A_480 = arith.constant 0 : i32
    %dma_wait3A_481 = arith.constant 0 : i32
    %dma_wait3A_482 = tpu.memref_slice %arg2[%dma_wait3A_480, %dma_wait3A_481] : memref<100000x128xf32, #tpu.memory_space<hbm>> -> memref<100000x128xf32, #tpu.memory_space<hbm>>
    tpu.wait_indirect_dma semaphore(%arg25 : memref<!tpu.dma_semaphore, #tpu.memory_space<semaphore_mem>>) src(%dma_wait3A_482 : memref<100000x128xf32, #tpu.memory_space<hbm>>) dst(%dma_wait3A_477 : memref<32x128xf32, #tpu.memory_space<vmem>>)
    %add3A_483 = arith.constant 224 : i32
    %add3A_484 = arith.addi %mul3A_32, %add3A_483 : i32
    %dma_start3A_485 = arith.constant 224 : i32
    %dma_start3A_486 = arith.constant 0 : i32
    %dma_start3A_487 = tpu.memref_slice %arg7[%dma_start3A_485, %dma_start3A_486] : memref<256x128xf32, #tpu.memory_space<vmem>> -> memref<32x128xf32, #tpu.memory_space<vmem>>
    %dma_start3A_488 = arith.constant 0 : i32
    %dma_start3A_489 = tpu.memref_slice %arg5[%select_n3A, %add3A_484, %dma_start3A_488] : memref<4x2048x128xf32, #tpu.memory_space<hbm>> -> memref<1x32x128xf32, #tpu.memory_space<hbm>>
    %dma_start3A_490 = tpu.memref_squeeze %dma_start3A_489 : memref<1x32x128xf32, #tpu.memory_space<hbm>> -> memref<32x128xf32, #tpu.memory_space<hbm>>
    %dma_start3A_491 = arith.constant 0 : i32
    %dma_start3A_492 = tpu.memref_slice %arg5[%select_n3A, %add3A_484, %dma_start3A_491] : memref<4x2048x128xf32, #tpu.memory_space<hbm>> -> memref<1x32x128xf32, #tpu.memory_space<hbm>>
    %dma_start3A_493 = tpu.memref_squeeze %dma_start3A_492 : memref<1x32x128xf32, #tpu.memory_space<hbm>> -> memref<32x128xf32, #tpu.memory_space<hbm>>
    %dma_start3A_494 = arith.constant 224 : i32
    %dma_start3A_495 = arith.constant 0 : i32
    %dma_start3A_496 = tpu.memref_slice %arg7[%dma_start3A_494, %dma_start3A_495] : memref<256x128xf32, #tpu.memory_space<vmem>> -> memref<32x128xf32, #tpu.memory_space<vmem>>
    tpu.enqueue_dma source(%dma_start3A_496 : memref<32x128xf32, #tpu.memory_space<vmem>>) target(%dma_start3A_493 : memref<32x128xf32, #tpu.memory_space<hbm>>) target_semaphore(%arg26 : memref<!tpu.dma_semaphore, #tpu.memory_space<semaphore_mem>>)
    %dma_wait3A_497 = arith.constant 0 : i32
    %dma_wait3A_498 = arith.constant 0 : i32
    %dma_wait3A_499 = tpu.memref_slice %arg7[%dma_wait3A_497, %dma_wait3A_498] : memref<256x128xf32, #tpu.memory_space<vmem>> -> memref<32x128xf32, #tpu.memory_space<vmem>>
    %dma_wait3A_500 = arith.constant 0 : i32
    %dma_wait3A_501 = tpu.memref_slice %arg5[%select_n3A, %add3A_330, %dma_wait3A_500] : memref<4x2048x128xf32, #tpu.memory_space<hbm>> -> memref<1x32x128xf32, #tpu.memory_space<hbm>>
    %dma_wait3A_502 = tpu.memref_squeeze %dma_wait3A_501 : memref<1x32x128xf32, #tpu.memory_space<hbm>> -> memref<32x128xf32, #tpu.memory_space<hbm>>
    %dma_wait3A_503 = arith.constant 0 : i32
    %dma_wait3A_504 = tpu.memref_slice %arg5[%select_n3A, %add3A_330, %dma_wait3A_503] : memref<4x2048x128xf32, #tpu.memory_space<hbm>> -> memref<1x32x128xf32, #tpu.memory_space<hbm>>
    %dma_wait3A_505 = tpu.memref_squeeze %dma_wait3A_504 : memref<1x32x128xf32, #tpu.memory_space<hbm>> -> memref<32x128xf32, #tpu.memory_space<hbm>>
    %dma_wait3A_506 = arith.constant 0 : i32
    %dma_wait3A_507 = arith.constant 0 : i32
    %dma_wait3A_508 = tpu.memref_slice %arg7[%dma_wait3A_506, %dma_wait3A_507] : memref<256x128xf32, #tpu.memory_space<vmem>> -> memref<32x128xf32, #tpu.memory_space<vmem>>
    tpu.wait_dma2 semaphore(%arg26 : memref<!tpu.dma_semaphore, #tpu.memory_space<semaphore_mem>>) src(%dma_wait3A_508 : memref<32x128xf32, #tpu.memory_space<vmem>>) dst(%dma_wait3A_505 : memref<32x128xf32, #tpu.memory_space<hbm>>)
    %dma_wait3A_509 = arith.constant 32 : i32
    %dma_wait3A_510 = arith.constant 0 : i32
    %dma_wait3A_511 = tpu.memref_slice %arg7[%dma_wait3A_509, %dma_wait3A_510] : memref<256x128xf32, #tpu.memory_space<vmem>> -> memref<32x128xf32, #tpu.memory_space<vmem>>
    %dma_wait3A_512 = arith.constant 0 : i32
    %dma_wait3A_513 = tpu.memref_slice %arg5[%select_n3A, %add3A_352, %dma_wait3A_512] : memref<4x2048x128xf32, #tpu.memory_space<hbm>> -> memref<1x32x128xf32, #tpu.memory_space<hbm>>
    %dma_wait3A_514 = tpu.memref_squeeze %dma_wait3A_513 : memref<1x32x128xf32, #tpu.memory_space<hbm>> -> memref<32x128xf32, #tpu.memory_space<hbm>>
    %dma_wait3A_515 = arith.constant 0 : i32
    %dma_wait3A_516 = tpu.memref_slice %arg5[%select_n3A, %add3A_352, %dma_wait3A_515] : memref<4x2048x128xf32, #tpu.memory_space<hbm>> -> memref<1x32x128xf32, #tpu.memory_space<hbm>>
    %dma_wait3A_517 = tpu.memref_squeeze %dma_wait3A_516 : memref<1x32x128xf32, #tpu.memory_space<hbm>> -> memref<32x128xf32, #tpu.memory_space<hbm>>
    %dma_wait3A_518 = arith.constant 32 : i32
    %dma_wait3A_519 = arith.constant 0 : i32
    %dma_wait3A_520 = tpu.memref_slice %arg7[%dma_wait3A_518, %dma_wait3A_519] : memref<256x128xf32, #tpu.memory_space<vmem>> -> memref<32x128xf32, #tpu.memory_space<vmem>>
    tpu.wait_dma2 semaphore(%arg26 : memref<!tpu.dma_semaphore, #tpu.memory_space<semaphore_mem>>) src(%dma_wait3A_520 : memref<32x128xf32, #tpu.memory_space<vmem>>) dst(%dma_wait3A_517 : memref<32x128xf32, #tpu.memory_space<hbm>>)
    %dma_wait3A_521 = arith.constant 64 : i32
    %dma_wait3A_522 = arith.constant 0 : i32
    %dma_wait3A_523 = tpu.memref_slice %arg7[%dma_wait3A_521, %dma_wait3A_522] : memref<256x128xf32, #tpu.memory_space<vmem>> -> memref<32x128xf32, #tpu.memory_space<vmem>>
    %dma_wait3A_524 = arith.constant 0 : i32
    %dma_wait3A_525 = tpu.memref_slice %arg5[%select_n3A, %add3A_374, %dma_wait3A_524] : memref<4x2048x128xf32, #tpu.memory_space<hbm>> -> memref<1x32x128xf32, #tpu.memory_space<hbm>>
    %dma_wait3A_526 = tpu.memref_squeeze %dma_wait3A_525 : memref<1x32x128xf32, #tpu.memory_space<hbm>> -> memref<32x128xf32, #tpu.memory_space<hbm>>
    %dma_wait3A_527 = arith.constant 0 : i32
    %dma_wait3A_528 = tpu.memref_slice %arg5[%select_n3A, %add3A_374, %dma_wait3A_527] : memref<4x2048x128xf32, #tpu.memory_space<hbm>> -> memref<1x32x128xf32, #tpu.memory_space<hbm>>
    %dma_wait3A_529 = tpu.memref_squeeze %dma_wait3A_528 : memref<1x32x128xf32, #tpu.memory_space<hbm>> -> memref<32x128xf32, #tpu.memory_space<hbm>>
    %dma_wait3A_530 = arith.constant 64 : i32
    %dma_wait3A_531 = arith.constant 0 : i32
    %dma_wait3A_532 = tpu.memref_slice %arg7[%dma_wait3A_530, %dma_wait3A_531] : memref<256x128xf32, #tpu.memory_space<vmem>> -> memref<32x128xf32, #tpu.memory_space<vmem>>
    tpu.wait_dma2 semaphore(%arg26 : memref<!tpu.dma_semaphore, #tpu.memory_space<semaphore_mem>>) src(%dma_wait3A_532 : memref<32x128xf32, #tpu.memory_space<vmem>>) dst(%dma_wait3A_529 : memref<32x128xf32, #tpu.memory_space<hbm>>)
    %dma_wait3A_533 = arith.constant 96 : i32
    %dma_wait3A_534 = arith.constant 0 : i32
    %dma_wait3A_535 = tpu.memref_slice %arg7[%dma_wait3A_533, %dma_wait3A_534] : memref<256x128xf32, #tpu.memory_space<vmem>> -> memref<32x128xf32, #tpu.memory_space<vmem>>
    %dma_wait3A_536 = arith.constant 0 : i32
    %dma_wait3A_537 = tpu.memref_slice %arg5[%select_n3A, %add3A_396, %dma_wait3A_536] : memref<4x2048x128xf32, #tpu.memory_space<hbm>> -> memref<1x32x128xf32, #tpu.memory_space<hbm>>
    %dma_wait3A_538 = tpu.memref_squeeze %dma_wait3A_537 : memref<1x32x128xf32, #tpu.memory_space<hbm>> -> memref<32x128xf32, #tpu.memory_space<hbm>>
    %dma_wait3A_539 = arith.constant 0 : i32
    %dma_wait3A_540 = tpu.memref_slice %arg5[%select_n3A, %add3A_396, %dma_wait3A_539] : memref<4x2048x128xf32, #tpu.memory_space<hbm>> -> memref<1x32x128xf32, #tpu.memory_space<hbm>>
    %dma_wait3A_541 = tpu.memref_squeeze %dma_wait3A_540 : memref<1x32x128xf32, #tpu.memory_space<hbm>> -> memref<32x128xf32, #tpu.memory_space<hbm>>
    %dma_wait3A_542 = arith.constant 96 : i32
    %dma_wait3A_543 = arith.constant 0 : i32
    %dma_wait3A_544 = tpu.memref_slice %arg7[%dma_wait3A_542, %dma_wait3A_543] : memref<256x128xf32, #tpu.memory_space<vmem>> -> memref<32x128xf32, #tpu.memory_space<vmem>>
    tpu.wait_dma2 semaphore(%arg26 : memref<!tpu.dma_semaphore, #tpu.memory_space<semaphore_mem>>) src(%dma_wait3A_544 : memref<32x128xf32, #tpu.memory_space<vmem>>) dst(%dma_wait3A_541 : memref<32x128xf32, #tpu.memory_space<hbm>>)
    %dma_wait3A_545 = arith.constant 128 : i32
    %dma_wait3A_546 = arith.constant 0 : i32
    %dma_wait3A_547 = tpu.memref_slice %arg7[%dma_wait3A_545, %dma_wait3A_546] : memref<256x128xf32, #tpu.memory_space<vmem>> -> memref<32x128xf32, #tpu.memory_space<vmem>>
    %dma_wait3A_548 = arith.constant 0 : i32
    %dma_wait3A_549 = tpu.memref_slice %arg5[%select_n3A, %add3A_418, %dma_wait3A_548] : memref<4x2048x128xf32, #tpu.memory_space<hbm>> -> memref<1x32x128xf32, #tpu.memory_space<hbm>>
    %dma_wait3A_550 = tpu.memref_squeeze %dma_wait3A_549 : memref<1x32x128xf32, #tpu.memory_space<hbm>> -> memref<32x128xf32, #tpu.memory_space<hbm>>
    %dma_wait3A_551 = arith.constant 0 : i32
    %dma_wait3A_552 = tpu.memref_slice %arg5[%select_n3A, %add3A_418, %dma_wait3A_551] : memref<4x2048x128xf32, #tpu.memory_space<hbm>> -> memref<1x32x128xf32, #tpu.memory_space<hbm>>
    %dma_wait3A_553 = tpu.memref_squeeze %dma_wait3A_552 : memref<1x32x128xf32, #tpu.memory_space<hbm>> -> memref<32x128xf32, #tpu.memory_space<hbm>>
    %dma_wait3A_554 = arith.constant 128 : i32
    %dma_wait3A_555 = arith.constant 0 : i32
    %dma_wait3A_556 = tpu.memref_slice %arg7[%dma_wait3A_554, %dma_wait3A_555] : memref<256x128xf32, #tpu.memory_space<vmem>> -> memref<32x128xf32, #tpu.memory_space<vmem>>
    tpu.wait_dma2 semaphore(%arg26 : memref<!tpu.dma_semaphore, #tpu.memory_space<semaphore_mem>>) src(%dma_wait3A_556 : memref<32x128xf32, #tpu.memory_space<vmem>>) dst(%dma_wait3A_553 : memref<32x128xf32, #tpu.memory_space<hbm>>)
    %dma_wait3A_557 = arith.constant 160 : i32
    %dma_wait3A_558 = arith.constant 0 : i32
    %dma_wait3A_559 = tpu.memref_slice %arg7[%dma_wait3A_557, %dma_wait3A_558] : memref<256x128xf32, #tpu.memory_space<vmem>> -> memref<32x128xf32, #tpu.memory_space<vmem>>
    %dma_wait3A_560 = arith.constant 0 : i32
    %dma_wait3A_561 = tpu.memref_slice %arg5[%select_n3A, %add3A_440, %dma_wait3A_560] : memref<4x2048x128xf32, #tpu.memory_space<hbm>> -> memref<1x32x128xf32, #tpu.memory_space<hbm>>
    %dma_wait3A_562 = tpu.memref_squeeze %dma_wait3A_561 : memref<1x32x128xf32, #tpu.memory_space<hbm>> -> memref<32x128xf32, #tpu.memory_space<hbm>>
    %dma_wait3A_563 = arith.constant 0 : i32
    %dma_wait3A_564 = tpu.memref_slice %arg5[%select_n3A, %add3A_440, %dma_wait3A_563] : memref<4x2048x128xf32, #tpu.memory_space<hbm>> -> memref<1x32x128xf32, #tpu.memory_space<hbm>>
    %dma_wait3A_565 = tpu.memref_squeeze %dma_wait3A_564 : memref<1x32x128xf32, #tpu.memory_space<hbm>> -> memref<32x128xf32, #tpu.memory_space<hbm>>
    %dma_wait3A_566 = arith.constant 160 : i32
    %dma_wait3A_567 = arith.constant 0 : i32
    %dma_wait3A_568 = tpu.memref_slice %arg7[%dma_wait3A_566, %dma_wait3A_567] : memref<256x128xf32, #tpu.memory_space<vmem>> -> memref<32x128xf32, #tpu.memory_space<vmem>>
    tpu.wait_dma2 semaphore(%arg26 : memref<!tpu.dma_semaphore, #tpu.memory_space<semaphore_mem>>) src(%dma_wait3A_568 : memref<32x128xf32, #tpu.memory_space<vmem>>) dst(%dma_wait3A_565 : memref<32x128xf32, #tpu.memory_space<hbm>>)
    %dma_wait3A_569 = arith.constant 192 : i32
    %dma_wait3A_570 = arith.constant 0 : i32
    %dma_wait3A_571 = tpu.memref_slice %arg7[%dma_wait3A_569, %dma_wait3A_570] : memref<256x128xf32, #tpu.memory_space<vmem>> -> memref<32x128xf32, #tpu.memory_space<vmem>>
    %dma_wait3A_572 = arith.constant 0 : i32
    %dma_wait3A_573 = tpu.memref_slice %arg5[%select_n3A, %add3A_462, %dma_wait3A_572] : memref<4x2048x128xf32, #tpu.memory_space<hbm>> -> memref<1x32x128xf32, #tpu.memory_space<hbm>>
    %dma_wait3A_574 = tpu.memref_squeeze %dma_wait3A_573 : memref<1x32x128xf32, #tpu.memory_space<hbm>> -> memref<32x128xf32, #tpu.memory_space<hbm>>
    %dma_wait3A_575 = arith.constant 0 : i32
    %dma_wait3A_576 = tpu.memref_slice %arg5[%select_n3A, %add3A_462, %dma_wait3A_575] : memref<4x2048x128xf32, #tpu.memory_space<hbm>> -> memref<1x32x128xf32, #tpu.memory_space<hbm>>
    %dma_wait3A_577 = tpu.memref_squeeze %dma_wait3A_576 : memref<1x32x128xf32, #tpu.memory_space<hbm>> -> memref<32x128xf32, #tpu.memory_space<hbm>>
    %dma_wait3A_578 = arith.constant 192 : i32
    %dma_wait3A_579 = arith.constant 0 : i32
    %dma_wait3A_580 = tpu.memref_slice %arg7[%dma_wait3A_578, %dma_wait3A_579] : memref<256x128xf32, #tpu.memory_space<vmem>> -> memref<32x128xf32, #tpu.memory_space<vmem>>
    tpu.wait_dma2 semaphore(%arg26 : memref<!tpu.dma_semaphore, #tpu.memory_space<semaphore_mem>>) src(%dma_wait3A_580 : memref<32x128xf32, #tpu.memory_space<vmem>>) dst(%dma_wait3A_577 : memref<32x128xf32, #tpu.memory_space<hbm>>)
    %dma_wait3A_581 = arith.constant 224 : i32
    %dma_wait3A_582 = arith.constant 0 : i32
    %dma_wait3A_583 = tpu.memref_slice %arg7[%dma_wait3A_581, %dma_wait3A_582] : memref<256x128xf32, #tpu.memory_space<vmem>> -> memref<32x128xf32, #tpu.memory_space<vmem>>
    %dma_wait3A_584 = arith.constant 0 : i32
    %dma_wait3A_585 = tpu.memref_slice %arg5[%select_n3A, %add3A_484, %dma_wait3A_584] : memref<4x2048x128xf32, #tpu.memory_space<hbm>> -> memref<1x32x128xf32, #tpu.memory_space<hbm>>
    %dma_wait3A_586 = tpu.memref_squeeze %dma_wait3A_585 : memref<1x32x128xf32, #tpu.memory_space<hbm>> -> memref<32x128xf32, #tpu.memory_space<hbm>>
    %dma_wait3A_587 = arith.constant 0 : i32
    %dma_wait3A_588 = tpu.memref_slice %arg5[%select_n3A, %add3A_484, %dma_wait3A_587] : memref<4x2048x128xf32, #tpu.memory_space<hbm>> -> memref<1x32x128xf32, #tpu.memory_space<hbm>>
    %dma_wait3A_589 = tpu.memref_squeeze %dma_wait3A_588 : memref<1x32x128xf32, #tpu.memory_space<hbm>> -> memref<32x128xf32, #tpu.memory_space<hbm>>
    %dma_wait3A_590 = arith.constant 224 : i32
    %dma_wait3A_591 = arith.constant 0 : i32
    %dma_wait3A_592 = tpu.memref_slice %arg7[%dma_wait3A_590, %dma_wait3A_591] : memref<256x128xf32, #tpu.memory_space<vmem>> -> memref<32x128xf32, #tpu.memory_space<vmem>>
    tpu.wait_dma2 semaphore(%arg26 : memref<!tpu.dma_semaphore, #tpu.memory_space<semaphore_mem>>) src(%dma_wait3A_592 : memref<32x128xf32, #tpu.memory_space<vmem>>) dst(%dma_wait3A_589 : memref<32x128xf32, #tpu.memory_space<hbm>>)
    return
  }
}

</mosaic_0001>

<sc_bundles>
// kernel: _impl.3.cloned.1.call-start
scs
__scs_entry_jumppad:
0x0: {  	(pc) =	sbr.rel $0x88, $3  }
0x1: {  	(tag) =	ssettag $0x0;
	lr =	simm.s32 $0x1  }
0x2: {  	[smem:$0x3F9E] =	sst lr;
	_ =	strace $0xD0000000  }
0x3: {  	_ = 	snop  }
0x4: {  	_ = 	snop  }
0x5: {  	_ = 	snop  }
0x6: {  	_ = 	snop  }
0x7: {  	_ = 	snop  }
__scs_overlays_trampoline_lowered:
0x8: {  	[smem:$0x3FAD] =	sst s0  }
0x9: {  	[smem:$0x3FAE] =	sst s1  }
0xa: {  	[smem:$0x3FAF] =	sst s2  }
0xb: {  	[smem:$0x3FB0] =	sst s3  }
0xc: {  	[smem:$0x3FB1] =	sst s4  }
0xd: {  	[smem:$0x3FB2] =	sst s5  }
0xe: {  	[smem:$0x3FB3] =	sst s6  }
0xf: {  	[smem:$0x3FB4] =	sst s7  }
0x10: {  	[smem:$0x3FB5] =	sst s8  }
0x11: {  	[smem:$0x3FB6] =	sst s9;
	s0 =	simm.s32 @!p0 $0x0  }
0x12: {  	s1 =	sld [smem:$0x3F9C];
	s0 =	simm.s32 @p0 $0x1  }
0x13: {  	[smem:$0x3FB7] =	sst s0;
	s0 =	simm.s32 @!p1 $0x0  }
0x14: {  	s2 =	sld [smem:$0x3F9B];
	s0 =	simm.s32 @p1 $0x1  }
0x15: {  	[smem:$0x3FB8] =	sst s0;
	s0 =	simm.s32 @!p2 $0x0  }
0x16: {  	s3 =	sld [smem:$0x3FDB];
	s0 =	simm.s32 @p2 $0x1  }
0x17: {  	s4 =	simm.s32 $0x1BF5;
	[smem:$0x3FBA] =	sst s0  }
0x18: {  	s0 =	sld [smem:$0x3F9D];
	_ =	swait.ge [sflag:s4], $0x0  }
0x19: {  	s7 =	sld [smem:$0x3F9E]  }
0x1a: {  	s8 =	sadd.s32 $0xFFFFE003, lr  }
0x1b: {  	s9 =	sadd.s32 $0xFFFFFEF7, lr;
	s5 =	simm.s32 $0xFFFFFFFF;
	p2 =	slt.u32 s8, $0xFFFFF086  }
0x1c: {  	p1 =	slt.u32 s9, $0xF7A;
	s5 =	simm.s32 @!p2 $0x0  }
0x1d: {  	s5 =	simm.s32 @p1 $0x1;
	p0 =	seq.s32 s7, s2  }
0x1e: {  	s7 =	smul.u32 @!p0 $0xF7A, s2;
	p2 =	seq.s32 @!p0 s5, $0x0  }
0x1f: {  	s9 =	smul.u32 $0xF7A, s1;
	s8 =	simm.s32 @!p0 $0x1BF5;
	p2 =	por !p2, p0  }
0x20: {  	[sflag:s8] =	ssyncset.s32 @!p0 $0xFFFFF086;
	s6 =	sadd.s32 @!p0 s3, s7;
	s7 =	simm.s32 @!p0 $0x108  }
0x21: {  	s3 =	sadd.s32 s3, s9;
	s6 =	sadd.s32 @!p0 $0x88, s6;
	s7 =	simm.s32 @p2 $0x1082  }
0x22: {  	[simem:s7], [sflag:s8] =	dma.local @!p0 [hbm:s6], $0xF7A  }
0x23: {  	s9 =	sor.u32 $0xD0000000, s2;
	s6 =	simm.s32 $0x108;
	_ =	swait.ge @!p0 [sflag:s8], $0x0  }
0x24: {  	s3 =	sadd.s32 $0x88, s3;
	s6 =	simm.s32 @!p1 $0x1082;
	[sflag:s4] =	ssyncset.s32 $0xFFFFF086  }
0x25: {  	[simem:s6], [sflag:s4] =	dma.local [hbm:s3], $0xF7A  }
0x26: {  	[smem:$0x3F9E] =	sst s1;
	(tag) =	ssettag s2;
	_ =	strace s9  }
0x27: {  	s1 =	sld [smem:$0x3FAE]  }
0x28: {  	s2 =	sld [smem:$0x3FAF]  }
0x29: {  	s4 =	sld [smem:$0x3FB1]  }
0x2a: {  	p0 =	seq.s32 s5, $0x0;
	s5 =	sld [smem:$0x3FB2]  }
0x2b: {  	s6 =	sld [smem:$0x3FB3]  }
0x2c: {  	s7 =	sld [smem:$0x3FB4]  }
0x2d: {  	s3 =	simm.s32 $0x108;
	s8 =	sld [smem:$0x3FB5]  }
0x2e: {  	s3 =	simm.s32 @!p0 $0x1082;
	s9 =	sld [smem:$0x3FB6]  }
0x2f: {  	lr =	sadd.s32 s0, s3;
	s0 =	sld [smem:$0x3FAD]  }
0x30: {  	s3 =	sld [smem:$0x3FB0]  }
0x31: {  	[smem:$0x3FB9] =	sst s10  }
0x32: {  	s10 =	sld [smem:$0x3FB7];
	_ =	sdelay $0x3  }
0x33: {  	p0 =	seq.s32 s10, $0x1;
	s10 =	sld [smem:$0x3FB9];
	_ =	sdelay $0x3  }
0x34: {  	[smem:$0x3FB9] =	sst s10  }
0x35: {  	s10 =	sld [smem:$0x3FB8];
	_ =	sdelay $0x3  }
0x36: {  	p1 =	seq.s32 s10, $0x1;
	s10 =	sld [smem:$0x3FB9];
	_ =	sdelay $0x3  }
0x37: {  	[smem:$0x3FB9] =	sst s10  }
0x38: {  	s10 =	sld [smem:$0x3FBA]  }
0x39: {  	_ = 	snop;
	(pc) =	sbr.ind lr, $3  }
0x3a: {  	_ = 	snop  }
0x3b: {  	_ = 	snop  }
0x3c: {  	p2 =	seq.s32 s10, $0x1;
	s10 =	sld [smem:$0x3FB9]  }
0x3d: {  	_ =	shalt  }
0x3e: {  	_ =	shalt  }
0x3f: {  	_ =	shalt  }
0x40: {  	_ =	shalt  }
0x41: {  	_ =	shalt  }
0x42: {  	_ =	shalt  }
0x43: {  	_ =	shalt  }
0x44: {  	_ =	shalt  }
0x45: {  	_ =	shalt  }
0x46: {  	_ =	shalt  }
0x47: {  	_ =	shalt  }
0x48: {  	_ =	shalt  }
0x49: {  	_ =	shalt  }
0x4a: {  	_ =	shalt  }
0x4b: {  	_ =	shalt  }
0x4c: {  	_ =	shalt  }
0x4d: {  	_ =	shalt  }
0x4e: {  	_ =	shalt  }
0x4f: {  	_ =	shalt  }
0x50: {  	_ =	shalt  }
0x51: {  	_ =	shalt  }
0x52: {  	_ =	shalt  }
0x53: {  	_ =	shalt  }
0x54: {  	_ =	shalt  }
0x55: {  	_ =	shalt  }
0x56: {  	_ =	shalt  }
0x57: {  	_ =	shalt  }
0x58: {  	_ =	shalt  }
0x59: {  	_ =	shalt  }
0x5a: {  	_ =	shalt  }
0x5b: {  	_ =	shalt  }
0x5c: {  	_ =	shalt  }
0x5d: {  	_ =	shalt  }
0x5e: {  	_ =	shalt  }
0x5f: {  	_ =	shalt  }
0x60: {  	_ =	shalt  }
0x61: {  	_ =	shalt  }
0x62: {  	_ =	shalt  }
0x63: {  	_ =	shalt  }
0x64: {  	_ =	shalt  }
0x65: {  	_ =	shalt  }
0x66: {  	_ =	shalt  }
0x67: {  	_ =	shalt  }
0x68: {  	_ =	shalt  }
0x69: {  	_ =	shalt  }
0x6a: {  	_ =	shalt  }
0x6b: {  	_ =	shalt  }
0x6c: {  	_ =	shalt  }
0x6d: {  	_ =	shalt  }
0x6e: {  	_ =	shalt  }
0x6f: {  	_ =	shalt  }
0x70: {  	_ =	shalt  }
0x71: {  	_ =	shalt  }
0x72: {  	_ =	shalt  }
0x73: {  	_ =	shalt  }
0x74: {  	_ =	shalt  }
0x75: {  	_ =	shalt  }
0x76: {  	_ =	shalt  }
0x77: {  	_ =	shalt  }
0x78: {  	_ =	shalt  }
0x79: {  	_ =	shalt  }
0x7a: {  	_ =	shalt  }
0x7b: {  	_ =	shalt  }
0x7c: {  	_ =	shalt  }
0x7d: {  	_ =	shalt  }
0x7e: {  	_ =	shalt  }
0x7f: {  	_ =	shalt  }
0x80: {  	_ =	shalt  }
0x81: {  	_ =	shalt  }
0x82: {  	_ =	shalt  }
0x83: {  	_ =	shalt  }
0x84: {  	_ =	shalt  }
0x85: {  	_ =	shalt  }
0x86: {  	_ =	shalt  }
0x87: {  	_ =	shalt  }
.Lfunc_end0:
.L_simem_size_0:
called_computation_lowered:
.L_overlay_start_0:
0x88: {  	s2 =	sld [smem:$0x3FD9]  }
0x89: {  	s3 =	sld [smem:$0x3FFE];
	_ =	sdelay $0x1  }
0x8a: {  	s1 =	srdreg.scid  }
0x8b: {  	s0 =	sand.u32 $0x1, s1  }
0x8c: {  	s18 =	sshll.u32 s0, $0xA;
	s2 =	sadd.s32 s3, s2  }
0x8d: {  	s2 =	sadd.s32 s2, s18  }
0x8e: {  	[smem:$0x3FC5] =	sst s2  }
0x8f: {  	_ = 	snop  }
0x90: {  	s2 =	sld [smem:$0x3FC9]  }
0x91: {  	s19 =	sld [smem:$0x3FC8]  }
0x92: {  	s4 =	sld [smem:$0x3FC7]  }
0x93: {  	s5 =	sld [smem:$0x3FD0];
	(tm) =	ssettm $0x1  }
0x94: {  	s6 =	sld [smem:$0x3FFB];
	_ =	sdelay $0x3  }
0x95: {  	_ =	strace s6  }
0x96: {  	s6 =	sld [smem:$0x3FFC];
	_ =	sdelay $0x3  }
0x97: {  	_ =	strace s6  }
0x98: {  	s6 =	sld [smem:$0x3FFD];
	_ =	sdelay $0x3  }
0x99: {  	_ =	strace s6  }
0x9a: {  	_ =	strace $0x8FFFFFFF  }
0x9b: {  	s20 =	sld [smem:$0x3FDB];
	_ =	sdelay $0x1  }
0x9c: {  	s7 =	simm.s32 $_scs_section_size  }
0x9d: {  	s8 =	simm.s32 $_size__tile_overlayer_lowered;
	s9 =	simm.s32 $_tile_overlayer_lowered  }
0x9e: {  	s23 =	simm.s32 $0x1BFF;
	s22 =	sshll.u32 s9, $0x1;
	s6 =	sadd.s32 s7, s20  }
0x9f: {  	s10 =	simm.s32 $0x0;
	s21 =	sshll.u32 s8, $0x1;
	s8 =	sadd.s32 s22, s6  }
0xa0: {  	[timem:s10], [sflag:s23] =	dma.local [hbm:s8], s21  }
0xa1: {  	_ =	swait.ge [sflag:s23], s21  }
0xa2: {  	s7 =	ssub.s32 $0x0, s21;
	[sflag:s23] =	ssyncset.done $0x0  }
0xa3: {  	[sflag:s23] =	ssyncadd.s32 s7;
	_ =	sdelay $0x1  }
0xa4: {  	s24 =	simm.s32 $0x1B8B  }
0xa5: {  	_ =	swait.ge [sflag:s24], $0x1  }
0xa6: {  	[sflag:s24] =	ssyncset.done $0x0  }
0xa7: {  	s25 =	simm.s32 $0x1B8E;
	[sflag:s24] =	ssyncadd.s32 $0xFFFFFFFF  }
0xa8: {  	s26 =	simm.s32 $execute0_lowered;
	[smem:$0x3FD2] =	sst s25  }
0xa9: {  	s7 =	sshll.u32 s26, $0x1;
	_ =	strace $0x80000046;
	[dreg:$0x1] =	wrdreg $0xFFFFFFFF  }
0xaa: {  	s28 =	simm.s32 $_size_execute0_lowered;
	s6 =	sadd.s32 s6, s7;
	[dreg:$0x0] =	wrdreg $0x0  }
0xab: {  	s7 =	sshll.u32 s28, $0x1;
	[dreg:$0x2] =	wrdreg s6  }
0xac: {  	[dreg:$0x3] =	wrdreg s7  }
0xad: {  	[dreg:$0x4] =	wrdreg $0xC0  }
0xae: {  	_ =	task [dreg:s10], $0x5FFFF  }
0xaf: {  	[dreg:$0x1] =	wrdreg $0xFFFFFFFF  }
0xb0: {  	[dreg:$0x0] =	wrdreg $0x60  }
0xb1: {  	[dreg:$0x2] =	wrdreg s19  }
0xb2: {  	[dreg:$0x3] =	wrdreg s2  }
0xb3: {  	[dreg:$0x4] =	wrdreg s4  }
0xb4: {  	[dreg:$0x5] =	wrdreg s5  }
0xb5: {  	[dreg:$0x6] =	wrdreg $0x81000  }
0xb6: {  	[dreg:$0x7] =	wrdreg $0x9  }
0xb7: {  	_ =	task.clear_ibuf [dreg:s10], $0x8FFFF;
	_ =	strace $0x90000046  }
0xb8: {  	s29 =	simm.s32 $0x9;
	_ =	strace $0x80000048  }
0xb9: {  	_ =	swait.ge [sflag:s29], $0x1  }
0xba: {  	[sflag:s29] =	ssyncadd.s32 $0xFFFFFFFF  }
0xbb: {  	_ =	strace $0x90000048  }
0xbc: {  	_ =	sfence  }
0xbd: {  	s30 =	sld [smem:$0x0];
	_ =	sdelay $0x2  }
0xbe: {  	s31 =	sshll.u32 s1, $0xD;
	s1 =	sshrl.u32 s1, $0x2  }
0xbf: {  	s3 =	sand.u32 $0x4000, s31;
	s1 =	sadd.s32 s1, s30  }
0xc0: {  	s0 =	sor.u32 s3, s0;
	s1 =	sshll.u32 s1, $0x11  }
0xc1: {  	s0 =	sor.u32 s1, s0  }
0xc2: {  	s0 =	sadd.s32 $0x8F2B, s0  }
0xc3: {  	[sflag:s0] =	ssyncadd.remote.s32 $0x1  }
0xc4: {  	_ =	sfence.sel $0xFFFF  }
0xc5: {  	[dreg:$0x0] =	wrdreg $0xFFFFFFFF;
	(pc) =	sbr.abs _section_cstart, $3  }
0xc6: {  	[dreg:$0x1] =	wrdreg $0xFFFFFFFF  }
0xc7: {  	_ =	task.clear_ibuf [dreg:s10], $0x2FFFF;
	_ =	strace $0x9FFFFFFF  }
0xc8: {  	(tm) =	ssettm $0x7FFFFFFF  }
0xc9: {  	_ =	shalt  }
tec
execute0_lowered:
.L_overlay_start_1:
0x0: {  	(tag) =	ssettag $0x1  }
0x1: {  	s2 =	rddreg [dreg:$0x0]  }
0x2: {  	s1 =	rddreg [dreg:$0x1]  }
0x3: {  	s4 =	rddreg [dreg:$0x2]  }
0x4: {  	s5 =	rddreg [dreg:$0x3]  }
0x5: {  	s0 =	rddreg [dreg:$0x4];
	s12 =	stileid.u32;
	s3 =	simm.s32 $0x0  }
0x6: {  	s6 =	srdreg.scid;
	[smem:$0x7FF] =	sst s3  }
0x7: {  	s6 =	sand.u32 $0x1, s6;
	s8 =	sshrl.u32 s12, $0x2;
	s11 =	sshrl.u32 s12, $0x1  }
0x8: {  	s24 =	sand.u32 $0x3, s12;
	s10 =	sshll.u32 s8, $0x4;
	s11 =	sand.u32 $0x6, s11  }
0x9: {  	s13 =	sshll.u32 s24, $0xF;
	s1 =	sadd.s32 s1, s10;
	s25 =	sor.u32 s6, s11  }
0xa: {  	s11 =	sshll.u32 s12, $0x6;
	s10 =	sadd.s32 s13, s0;
	s13 =	simm.s32 $0x40  }
0xb: {  	_ =	strace $0x80000047;
	s14 =	sor.u32 $0x1C13, s11;
	[dreg:$0x19] =	wrdreg s13  }
0xc: {  	s15 =	sadd.s32 $0x1000, s10;
	[dreg:$0x8] =	wrdreg s14  }
0xd: {  	s16 =	sadd.s32 $0x2000, s10;
	[dreg:$0x9] =	wrdreg s15  }
0xe: {  	s17 =	sadd.s32 $0x3000, s10;
	[dreg:$0xa] =	wrdreg s16  }
0xf: {  	s7 =	sshll.u32 s12, $0x1;
	s19 =	sadd.s32 $0x4000, s10;
	[dreg:$0xb] =	wrdreg s17  }
0x10: {  	s7 =	sand.u32 $0x6, s7;
	s20 =	sadd.s32 $0x5000, s10;
	[dreg:$0xc] =	wrdreg s19  }
0x11: {  	s7 =	sor.u32 s6, s7;
	s22 =	sadd.s32 $0x6000, s10;
	[dreg:$0xd] =	wrdreg s20  }
0x12: {  	s9 =	sshll.u32 s7, $0x7;
	s23 =	sadd.s32 $0x7000, s10;
	[dreg:$0xe] =	wrdreg s22  }
0x13: {  	s1 =	sadd.s32 s9, s1;
	[dreg:$0xf] =	wrdreg s23  }
0x14: {  	s26 =	sshll.u32 s24, $0xA;
	s14 =	simm.s32 $0x60;
	[dreg:$0x6] =	wrdreg s1  }
0x15: {  	s21 =	sshll.u32 s8, $0xF;
	s15 =	simm.s32 $0xA0;
	[dreg:$0x1a] =	wrdreg s14  }
0x16: {  	s4 =	sadd.s32 s4, s26;
	s16 =	simm.s32 $0xC0;
	[dreg:$0x1b] =	wrdreg s15  }
0x17: {  	s18 =	sshll.u32 s7, $0xC;
	s9 =	sshll.u32 s25, $0xC;
	[dreg:$0x1c] =	wrdreg s16  }
0x18: {  	s1 =	sadd.s32 s9, s4;
	s4 =	sor.u32 s21, s18;
	s18 =	rddreg [dreg:$0x8]  }
0x19: {  	s9 =	sshll.u32 s12, $0xD;
	s12 =	simm.s32 $0x200;
	[dreg:$0x7] =	wrdreg s1  }
0x1a: {  	[dreg:$0x17] =	wrdreg s12  }
0x1b: {  	s21 =	simm.s32 $0xE0;
	s20 =	rddreg [dreg:$0x6]  }
0x1c: {  	[dreg:$0x1d] =	wrdreg s21  }
0x1d: {  	s7 =	sadd.s32 s5, s4;
	s17 =	rddreg [dreg:$0x7]  }
0x1e: {  	s24 =	sadd.s32 $0x200, s7;
	s19 =	rddreg [dreg:$0x17]  }
0x1f: {  	s25 =	sadd.s32 $0x400, s7;
	[dreg:$0x10] =	wrdreg s24  }
0x20: {  	s26 =	sadd.s32 $0x600, s7;
	[dreg:$0x11] =	wrdreg s25  }
0x21: {  	s4 =	sadd.s32 $0x800, s7;
	[dreg:$0x12] =	wrdreg s26  }
0x22: {  	s5 =	sadd.s32 $0xA00, s7;
	[dreg:$0x13] =	wrdreg s4  }
0x23: {  	s8 =	sadd.s32 $0xC00, s7;
	[dreg:$0x14] =	wrdreg s5  }
0x24: {  	s0 =	sadd.s32 s9, s0;
	s11 =	sadd.s32 $0xE00, s7;
	[dreg:$0x15] =	wrdreg s8  }
0x25: {  	s0 =	sshrl.u32 s0, $0x3;
	[dreg:$0x16] =	wrdreg s11  }
0x26: {  	[dreg:$0x18] =	wrdreg s0  }
0x27: {  	s23 =	simm.s32 $0x13;
	s11 =	simm.s32 $0x80;
	s22 =	rddreg [dreg:$0x18]  }
0x28: {  	[tilespmem:s3], [sflag:$0x1] =	stream.strided.gather [hbm4b:s20+s11], $0x100, s19, s11, $0x38;
	[tilespmem:$0xA100] =	vst v63  }
0x29: {  	[spmem:s22], [sflag:s18] =	dma.local [hbm:s17], $0x400  }
0x2a: {  	_ =	swait.ge [sflag:s23], $0x400  }
0x2b: {  	[sflag:s23] =	ssyncset.done $0x0  }
0x2c: {  	[sflag:s23] =	ssyncadd.s32 $0xFFFFFC00  }
0x2d: {  	[bflag:$0x0] =	sbarrier.arrive $0xFFFF  }
0x2e: {  	s4 =	simm.s32 $0x100;
	s24 =	rddreg [dreg:$0x9]  }
0x2f: {  	[tilespmem:s4], [sflag:$0x2] =	stream.linear.gather [spmem:s10], $0x1000, $0x38;
	[tilespmem:$0xA100] =	vst v63  }
0x30: {  	s5 =	simm.s32 $0x1100;
	[dreg:$0x1e] =	wrdreg s10  }
0x31: {  	[tilespmem:s5], [sflag:$0x3] =	stream.linear.gather [spmem:s24], $0x1000, $0x38;
	[tilespmem:$0xA100] =	vst v63  }
0x32: {  	s8 =	simm.s32 $0x2100;
	s25 =	rddreg [dreg:$0xa]  }
0x33: {  	[tilespmem:s8], [sflag:$0x4] =	stream.linear.gather [spmem:s25], $0x1000, $0x38;
	[tilespmem:$0xA100] =	vst v63  }
0x34: {  	s9 =	simm.s32 $0x3100;
	s26 =	rddreg [dreg:$0xb]  }
0x35: {  	[tilespmem:s9], [sflag:$0x5] =	stream.linear.gather [spmem:s26], $0x1000, $0x38;
	[tilespmem:$0xA100] =	vst v63  }
0x36: {  	s12 =	simm.s32 $0x4100;
	s10 =	rddreg [dreg:$0xc]  }
0x37: {  	[tilespmem:s12], [sflag:$0x6] =	stream.linear.gather [spmem:s10], $0x1000, $0x38;
	[tilespmem:$0xA100] =	vst v63  }
0x38: {  	s16 =	simm.s32 $0x5100;
	s15 =	rddreg [dreg:$0xd]  }
0x39: {  	[tilespmem:s16], [sflag:$0x7] =	stream.linear.gather [spmem:s15], $0x1000, $0x38;
	[tilespmem:$0xA100] =	vst v63  }
0x3a: {  	s13 =	simm.s32 $0x6100;
	s20 =	rddreg [dreg:$0xe]  }
0x3b: {  	[tilespmem:s13], [sflag:$0x8] =	stream.linear.gather [spmem:s20], $0x1000, $0x38;
	[tilespmem:$0xA100] =	vst v63  }
0x3c: {  	s14 =	simm.s32 $0x7100;
	s22 =	simm.s32 $0x1;
	s21 =	rddreg [dreg:$0xf]  }
0x3d: {  	[tilespmem:s14], [sflag:$0x9] =	stream.linear.gather [spmem:s21], $0x1000, $0x38;
	[tilespmem:$0xA100] =	vst v63  }
0x3e: {  	_ =	swait.ge [sflag:s22], $0x100  }
0x3f: {  	[sflag:s22] =	ssyncset.done $0x0  }
0x40: {  	s17 =	simm.s32 $0x2;
	[sflag:s22] =	ssyncadd.s32 $0xFFFFFF00  }
0x41: {  	_ =	swait.ge [sflag:s17], $0x1000  }
0x42: {  	[sflag:s17] =	ssyncset.done $0x0  }
0x43: {  	s19 =	simm.s32 $0x3;
	s18 =	simm.s32 $0x20;
	[sflag:s17] =	ssyncadd.s32 $0xFFFFF000  }
0x44: {  	[tilespmem:s4], [sflag:$0xA] =	stream.indirect.gather.add.f32 [hbm:s2], $0x80, s3, s18, $0xb8;
	[tilespmem:$0xA100] =	vst v63  }
0x45: {  	_ =	swait.ge [sflag:s19], $0x1000  }
0x46: {  	[sflag:s19] =	ssyncset.done $0x0  }
0x47: {  	s20 =	simm.s32 $0x4;
	[sflag:s19] =	ssyncadd.s32 $0xFFFFF000  }
0x48: {  	[tilespmem:s5], [sflag:$0xB] =	stream.indirect.gather.add.f32 [hbm:s2], $0x80, s18, s18, $0xb8;
	[tilespmem:$0xA100] =	vst v63  }
0x49: {  	_ =	swait.ge [sflag:s20], $0x1000  }
0x4a: {  	[sflag:s20] =	ssyncset.done $0x0  }
0x4b: {  	s21 =	simm.s32 $0x5;
	s23 =	rddreg [dreg:$0x19];
	[sflag:s20] =	ssyncadd.s32 $0xFFFFF000  }
0x4c: {  	[tilespmem:s8], [sflag:$0xC] =	stream.indirect.gather.add.f32 [hbm:s2], $0x80, s23, s18, $0xb8;
	[tilespmem:$0xA100] =	vst v63  }
0x4d: {  	_ =	swait.ge [sflag:s21], $0x1000  }
0x4e: {  	[sflag:s21] =	ssyncset.done $0x0  }
0x4f: {  	s22 =	simm.s32 $0x6;
	s24 =	rddreg [dreg:$0x1a];
	[sflag:s21] =	ssyncadd.s32 $0xFFFFF000  }
0x50: {  	[tilespmem:s9], [sflag:$0xD] =	stream.indirect.gather.add.f32 [hbm:s2], $0x80, s24, s18, $0xb8;
	[tilespmem:$0xA100] =	vst v63  }
0x51: {  	_ =	swait.ge [sflag:s22], $0x1000  }
0x52: {  	[sflag:s22] =	ssyncset.done $0x0  }
0x53: {  	s23 =	simm.s32 $0x7;
	[sflag:s22] =	ssyncadd.s32 $0xFFFFF000  }
0x54: {  	[tilespmem:s12], [sflag:$0xE] =	stream.indirect.gather.add.f32 [hbm:s2], $0x80, s11, s18, $0xb8;
	[tilespmem:$0xA100] =	vst v63  }
0x55: {  	_ =	swait.ge [sflag:s23], $0x1000  }
0x56: {  	[sflag:s23] =	ssyncset.done $0x0  }
0x57: {  	s24 =	simm.s32 $0x8;
	s25 =	rddreg [dreg:$0x1b];
	[sflag:s23] =	ssyncadd.s32 $0xFFFFF000  }
0x58: {  	[tilespmem:s16], [sflag:$0xF] =	stream.indirect.gather.add.f32 [hbm:s2], $0x80, s25, s18, $0xb8;
	[tilespmem:$0xA100] =	vst v63  }
0x59: {  	_ =	swait.ge [sflag:s24], $0x1000  }
0x5a: {  	[sflag:s24] =	ssyncset.done $0x0  }
0x5b: {  	s25 =	simm.s32 $0x9;
	s26 =	rddreg [dreg:$0x1c];
	[sflag:s24] =	ssyncadd.s32 $0xFFFFF000  }
0x5c: {  	[tilespmem:s13], [sflag:$0x10] =	stream.indirect.gather.add.f32 [hbm:s2], $0x80, s26, s18, $0xb8;
	[tilespmem:$0xA100] =	vst v63  }
0x5d: {  	_ =	swait.ge [sflag:s25], $0x1000  }
0x5e: {  	[sflag:s25] =	ssyncset.done $0x0  }
0x5f: {  	s26 =	simm.s32 $0xA;
	s1 =	rddreg [dreg:$0x1d];
	[sflag:s25] =	ssyncadd.s32 $0xFFFFF000  }
0x60: {  	[tilespmem:s14], [sflag:$0x11] =	stream.indirect.gather.add.f32 [hbm:s2], $0x80, s1, s18, $0xb8;
	[tilespmem:$0xA100] =	vst v63  }
0x61: {  	_ =	swait.ge [sflag:s26], $0x1000  }
0x62: {  	[sflag:s26] =	ssyncset.done $0x0  }
0x63: {  	s28 =	simm.s32 $0xB;
	[dreg:$0x1f] =	wrdreg s7;
	[sflag:s26] =	ssyncadd.s32 $0xFFFFF000  }
0x64: {  	[hbm4b:s7+s3] =	stream.linear.scatter [tilespmem:s4], [sflag:$0x12], $0x1000, $0x38;
	[tilespmem:$0xA100] =	vst v63  }
0x65: {  	_ =	swait.ge [sflag:s28], $0x1000  }
0x66: {  	[sflag:s28] =	ssyncset.done $0x0  }
0x67: {  	s29 =	simm.s32 $0xC;
	s4 =	rddreg [dreg:$0x10];
	[sflag:s28] =	ssyncadd.s32 $0xFFFFF000  }
0x68: {  	[hbm4b:s4+s3] =	stream.linear.scatter [tilespmem:s5], [sflag:$0x12], $0x1000, $0x38;
	[tilespmem:$0xA100] =	vst v63  }
0x69: {  	_ =	swait.ge [sflag:s29], $0x1000  }
0x6a: {  	[sflag:s29] =	ssyncset.done $0x0  }
0x6b: {  	s30 =	simm.s32 $0xD;
	s7 =	rddreg [dreg:$0x11];
	[sflag:s29] =	ssyncadd.s32 $0xFFFFF000  }
0x6c: {  	[hbm4b:s7+s3] =	stream.linear.scatter [tilespmem:s8], [sflag:$0x12], $0x1000, $0x38;
	[tilespmem:$0xA100] =	vst v63  }
0x6d: {  	_ =	swait.ge [sflag:s30], $0x1000  }
0x6e: {  	[sflag:s30] =	ssyncset.done $0x0  }
0x6f: {  	s31 =	simm.s32 $0xE;
	s8 =	rddreg [dreg:$0x12];
	[sflag:s30] =	ssyncadd.s32 $0xFFFFF000  }
0x70: {  	[hbm4b:s8+s3] =	stream.linear.scatter [tilespmem:s9], [sflag:$0x12], $0x1000, $0x38;
	[tilespmem:$0xA100] =	vst v63  }
0x71: {  	_ =	swait.ge [sflag:s31], $0x1000  }
0x72: {  	[sflag:s31] =	ssyncset.done $0x0  }
0x73: {  	s0 =	simm.s32 $0xF;
	s9 =	rddreg [dreg:$0x13];
	[sflag:s31] =	ssyncadd.s32 $0xFFFFF000  }
0x74: {  	[hbm4b:s9+s3] =	stream.linear.scatter [tilespmem:s12], [sflag:$0x12], $0x1000, $0x38;
	[tilespmem:$0xA100] =	vst v63  }
0x75: {  	_ =	swait.ge [sflag:s0], $0x1000  }
0x76: {  	[sflag:s0] =	ssyncset.done $0x0  }
0x77: {  	s1 =	simm.s32 $0x10;
	s11 =	rddreg [dreg:$0x14];
	[sflag:s0] =	ssyncadd.s32 $0xFFFFF000  }
0x78: {  	[hbm4b:s11+s3] =	stream.linear.scatter [tilespmem:s16], [sflag:$0x12], $0x1000, $0x38;
	[tilespmem:$0xA100] =	vst v63  }
0x79: {  	_ =	swait.ge [sflag:s1], $0x1000  }
0x7a: {  	[sflag:s1] =	ssyncset.done $0x0  }
0x7b: {  	s4 =	simm.s32 $0x11;
	s12 =	rddreg [dreg:$0x15];
	[sflag:s1] =	ssyncadd.s32 $0xFFFFF000  }
0x7c: {  	[hbm4b:s12+s3] =	stream.linear.scatter [tilespmem:s13], [sflag:$0x12], $0x1000, $0x38;
	[tilespmem:$0xA100] =	vst v63  }
0x7d: {  	_ =	swait.ge [sflag:s4], $0x1000  }
0x7e: {  	[sflag:s4] =	ssyncset.done $0x0  }
0x7f: {  	s5 =	simm.s32 $0x12;
	s15 =	rddreg [dreg:$0x16];
	[sflag:s4] =	ssyncadd.s32 $0xFFFFF000  }
0x80: {  	[hbm4b:s15+s3] =	stream.linear.scatter [tilespmem:s14], [sflag:$0x12], $0x1000, $0x38;
	[tilespmem:$0xA100] =	vst v63  }
0x81: {  	_ =	swait.ge [sflag:s5], $0x1000  }
0x82: {  	[sflag:s5] =	ssyncset.done $0x0  }
0x83: {  	[sflag:s5] =	ssyncadd.s32 $0xFFFFF000  }
0x84: {  	_ =	swait.ge [sflag:s5], $0x1000  }
0x85: {  	[sflag:s5] =	ssyncset.done $0x0  }
0x86: {  	[sflag:s5] =	ssyncadd.s32 $0xFFFFF000  }
0x87: {  	_ =	swait.ge [sflag:s5], $0x1000  }
0x88: {  	[sflag:s5] =	ssyncset.done $0x0  }
0x89: {  	[sflag:s5] =	ssyncadd.s32 $0xFFFFF000  }
0x8a: {  	_ =	swait.ge [sflag:s5], $0x1000  }
0x8b: {  	[sflag:s5] =	ssyncset.done $0x0  }
0x8c: {  	[sflag:s5] =	ssyncadd.s32 $0xFFFFF000  }
0x8d: {  	s16 =	ssub.s32 $0x2, s6;
	_ =	swait.ge [sflag:s5], $0x1000  }
0x8e: {  	s6 =	sshrl.u32 s16, $0x1;
	[sflag:s5] =	ssyncset.done $0x0  }
0x8f: {  	s6 =	ssub.s32 s16, s6;
	[sflag:s5] =	ssyncadd.s32 $0xFFFFF000  }
0x90: {  	s6 =	smax.u32 s6, $0x1;
	_ =	swait.ge [sflag:s5], $0x1000  }
0x91: {  	p0 =	sne.s32 s6, $0x1;
	[sflag:s5] =	ssyncset.done $0x0  }
.Ltmp0:
0x92: {  	[sflag:s5] =	ssyncadd.s32 $0xFFFFF000;
	(pc) =	sbr.rel @!p0 .LBB2_3-.Ltmp0, $4  }
0x93: {  	_ =	swait.ge [sflag:s5], $0x1000  }
0x94: {  	[sflag:s5] =	ssyncset.done $0x0  }
0x95: {  	[sflag:s5] =	ssyncadd.s32 $0xFFFFF000  }
0x96: {  	s6 =	sadd.s32 $0xFFFFFFFF, s6;
	_ =	swait.ge [sflag:s5], $0x1000  }
0x97: {  	s12 =	simm.s32 $0x80;
	s13 =	simm.s32 $0x3100  }
0x98: {  	s14 =	simm.s32 $0x4100;
	s15 =	simm.s32 $0x5100;
	s16 =	simm.s32 $0x6100  }
.LBB2_2:
0x99: {  	s7 =	rddreg [dreg:$0x7]  }
0x9a: {  	s8 =	rddreg [dreg:$0x8]  }
0x9b: {  	[sflag:s5] =	ssyncset.done $0x0;
	s9 =	rddreg [dreg:$0x17]  }
0x9c: {  	s10 =	rddreg [dreg:$0x6];
	[sflag:s5] =	ssyncadd.s32 $0xFFFFF000  }
0x9d: {  	[tilespmem:s3], [sflag:$0x1] =	stream.strided.gather [hbm4b:s10+s12], $0x100, s9, s12, $0x38;
	[tilespmem:$0xA100] =	vst v63  }
0x9e: {  	s11 =	rddreg [dreg:$0x18];
	s10 =	simm.s32 $0x13  }
0x9f: {  	[spmem:s11], [sflag:s8] =	dma.local [hbm:s7], $0x400  }
0xa0: {  	_ =	swait.ge [sflag:s10], $0x400  }
0xa1: {  	[sflag:s10] =	ssyncset.done $0x0  }
0xa2: {  	[sflag:s10] =	ssyncadd.s32 $0xFFFFFC00  }
0xa3: {  	[bflag:$0x0] =	sbarrier.arrive $0xFFFF  }
0xa4: {  	s9 =	simm.s32 $0x100;
	s11 =	rddreg [dreg:$0x1e]  }
0xa5: {  	[tilespmem:s9], [sflag:$0x2] =	stream.linear.gather [spmem:s11], $0x1000, $0x38;
	[tilespmem:$0xA100] =	vst v63  }
0xa6: {  	s10 =	simm.s32 $0x1100;
	s7 =	rddreg [dreg:$0x9]  }
0xa7: {  	[tilespmem:s10], [sflag:$0x3] =	stream.linear.gather [spmem:s7], $0x1000, $0x38;
	[tilespmem:$0xA100] =	vst v63  }
0xa8: {  	s8 =	rddreg [dreg:$0xa];
	s11 =	simm.s32 $0x2100  }
0xa9: {  	[tilespmem:s11], [sflag:$0x4] =	stream.linear.gather [spmem:s8], $0x1000, $0x38;
	[tilespmem:$0xA100] =	vst v63  }
0xaa: {  	s7 =	rddreg [dreg:$0xb]  }
0xab: {  	[tilespmem:s13], [sflag:$0x5] =	stream.linear.gather [spmem:s7], $0x1000, $0x38;
	[tilespmem:$0xA100] =	vst v63  }
0xac: {  	s8 =	rddreg [dreg:$0xc]  }
0xad: {  	[tilespmem:s14], [sflag:$0x6] =	stream.linear.gather [spmem:s8], $0x1000, $0x38;
	[tilespmem:$0xA100] =	vst v63  }
0xae: {  	s7 =	rddreg [dreg:$0xd]  }
0xaf: {  	[tilespmem:s15], [sflag:$0x7] =	stream.linear.gather [spmem:s7], $0x1000, $0x38;
	[tilespmem:$0xA100] =	vst v63  }
0xb0: {  	s8 =	rddreg [dreg:$0xe]  }
0xb1: {  	[tilespmem:s16], [sflag:$0x8] =	stream.linear.gather [spmem:s8], $0x1000, $0x38;
	[tilespmem:$0xA100] =	vst v63  }
0xb2: {  	s7 =	rddreg [dreg:$0xf];
	s8 =	simm.s32 $0x7100  }
0xb3: {  	[tilespmem:s8], [sflag:$0x9] =	stream.linear.gather [spmem:s7], $0x1000, $0x38;
	[tilespmem:$0xA100] =	vst v63  }
0xb4: {  	s7 =	simm.s32 $0x1  }
0xb5: {  	_ =	swait.ge [sflag:s7], $0x100  }
0xb6: {  	[sflag:s7] =	ssyncset.done $0x0  }
0xb7: {  	[sflag:s7] =	ssyncadd.s32 $0xFFFFFF00  }
0xb8: {  	_ =	swait.ge [sflag:s17], $0x1000  }
0xb9: {  	[sflag:s17] =	ssyncset.done $0x0  }
0xba: {  	[sflag:s17] =	ssyncadd.s32 $0xFFFFF000  }
0xbb: {  	[tilespmem:s9], [sflag:$0xA] =	stream.indirect.gather.add.f32 [hbm:s2], $0x80, s3, s18, $0xb8;
	[tilespmem:$0xA100] =	vst v63  }
0xbc: {  	_ =	swait.ge [sflag:s19], $0x1000  }
0xbd: {  	[sflag:s19] =	ssyncset.done $0x0  }
0xbe: {  	[sflag:s19] =	ssyncadd.s32 $0xFFFFF000  }
0xbf: {  	[tilespmem:s10], [sflag:$0xB] =	stream.indirect.gather.add.f32 [hbm:s2], $0x80, s18, s18, $0xb8;
	[tilespmem:$0xA100] =	vst v63  }
0xc0: {  	_ =	swait.ge [sflag:s20], $0x1000  }
0xc1: {  	[sflag:s20] =	ssyncset.done $0x0  }
0xc2: {  	s7 =	rddreg [dreg:$0x19];
	[sflag:s20] =	ssyncadd.s32 $0xFFFFF000  }
0xc3: {  	[tilespmem:s11], [sflag:$0xC] =	stream.indirect.gather.add.f32 [hbm:s2], $0x80, s7, s18, $0xb8;
	[tilespmem:$0xA100] =	vst v63  }
0xc4: {  	_ =	swait.ge [sflag:s21], $0x1000  }
0xc5: {  	[sflag:s21] =	ssyncset.done $0x0  }
0xc6: {  	s7 =	rddreg [dreg:$0x1a];
	[sflag:s21] =	ssyncadd.s32 $0xFFFFF000  }
0xc7: {  	[tilespmem:s13], [sflag:$0xD] =	stream.indirect.gather.add.f32 [hbm:s2], $0x80, s7, s18, $0xb8;
	[tilespmem:$0xA100] =	vst v63  }
0xc8: {  	_ =	swait.ge [sflag:s22], $0x1000  }
0xc9: {  	[sflag:s22] =	ssyncset.done $0x0  }
0xca: {  	[sflag:s22] =	ssyncadd.s32 $0xFFFFF000  }
0xcb: {  	[tilespmem:s14], [sflag:$0xE] =	stream.indirect.gather.add.f32 [hbm:s2], $0x80, s12, s18, $0xb8;
	[tilespmem:$0xA100] =	vst v63  }
0xcc: {  	_ =	swait.ge [sflag:s23], $0x1000  }
0xcd: {  	[sflag:s23] =	ssyncset.done $0x0  }
0xce: {  	s7 =	rddreg [dreg:$0x1b];
	[sflag:s23] =	ssyncadd.s32 $0xFFFFF000  }
0xcf: {  	[tilespmem:s15], [sflag:$0xF] =	stream.indirect.gather.add.f32 [hbm:s2], $0x80, s7, s18, $0xb8;
	[tilespmem:$0xA100] =	vst v63  }
0xd0: {  	_ =	swait.ge [sflag:s24], $0x1000  }
0xd1: {  	[sflag:s24] =	ssyncset.done $0x0  }
0xd2: {  	s7 =	rddreg [dreg:$0x1c];
	[sflag:s24] =	ssyncadd.s32 $0xFFFFF000  }
0xd3: {  	[tilespmem:s16], [sflag:$0x10] =	stream.indirect.gather.add.f32 [hbm:s2], $0x80, s7, s18, $0xb8;
	[tilespmem:$0xA100] =	vst v63  }
0xd4: {  	_ =	swait.ge [sflag:s25], $0x1000  }
0xd5: {  	[sflag:s25] =	ssyncset.done $0x0  }
0xd6: {  	s7 =	rddreg [dreg:$0x1d];
	[sflag:s25] =	ssyncadd.s32 $0xFFFFF000  }
0xd7: {  	[tilespmem:s8], [sflag:$0x11] =	stream.indirect.gather.add.f32 [hbm:s2], $0x80, s7, s18, $0xb8;
	[tilespmem:$0xA100] =	vst v63  }
0xd8: {  	_ =	swait.ge [sflag:s26], $0x1000  }
0xd9: {  	[sflag:s26] =	ssyncset.done $0x0  }
0xda: {  	s7 =	rddreg [dreg:$0x1f];
	[sflag:s26] =	ssyncadd.s32 $0xFFFFF000  }
0xdb: {  	[hbm4b:s7+s3] =	stream.linear.scatter [tilespmem:s9], [sflag:$0x12], $0x1000, $0x38;
	[tilespmem:$0xA100] =	vst v63  }
0xdc: {  	_ =	swait.ge [sflag:s28], $0x1000  }
0xdd: {  	[sflag:s28] =	ssyncset.done $0x0  }
0xde: {  	s9 =	rddreg [dreg:$0x10];
	[sflag:s28] =	ssyncadd.s32 $0xFFFFF000  }
0xdf: {  	[hbm4b:s9+s3] =	stream.linear.scatter [tilespmem:s10], [sflag:$0x12], $0x1000, $0x38;
	[tilespmem:$0xA100] =	vst v63  }
0xe0: {  	_ =	swait.ge [sflag:s29], $0x1000  }
0xe1: {  	[sflag:s29] =	ssyncset.done $0x0  }
0xe2: {  	s9 =	rddreg [dreg:$0x11];
	[sflag:s29] =	ssyncadd.s32 $0xFFFFF000  }
0xe3: {  	[hbm4b:s9+s3] =	stream.linear.scatter [tilespmem:s11], [sflag:$0x12], $0x1000, $0x38;
	[tilespmem:$0xA100] =	vst v63  }
0xe4: {  	_ =	swait.ge [sflag:s30], $0x1000  }
0xe5: {  	[sflag:s30] =	ssyncset.done $0x0  }
0xe6: {  	s10 =	rddreg [dreg:$0x12];
	[sflag:s30] =	ssyncadd.s32 $0xFFFFF000  }
0xe7: {  	[hbm4b:s10+s3] =	stream.linear.scatter [tilespmem:s13], [sflag:$0x12], $0x1000, $0x38;
	[tilespmem:$0xA100] =	vst v63  }
0xe8: {  	_ =	swait.ge [sflag:s31], $0x1000  }
0xe9: {  	[sflag:s31] =	ssyncset.done $0x0  }
0xea: {  	s11 =	rddreg [dreg:$0x13];
	[sflag:s31] =	ssyncadd.s32 $0xFFFFF000  }
0xeb: {  	[hbm4b:s11+s3] =	stream.linear.scatter [tilespmem:s14], [sflag:$0x12], $0x1000, $0x38;
	[tilespmem:$0xA100] =	vst v63  }
0xec: {  	_ =	swait.ge [sflag:s0], $0x1000  }
0xed: {  	[sflag:s0] =	ssyncset.done $0x0  }
0xee: {  	s9 =	rddreg [dreg:$0x14];
	[sflag:s0] =	ssyncadd.s32 $0xFFFFF000  }
0xef: {  	[hbm4b:s9+s3] =	stream.linear.scatter [tilespmem:s15], [sflag:$0x12], $0x1000, $0x38;
	[tilespmem:$0xA100] =	vst v63  }
0xf0: {  	_ =	swait.ge [sflag:s1], $0x1000  }
0xf1: {  	[sflag:s1] =	ssyncset.done $0x0  }
0xf2: {  	s10 =	rddreg [dreg:$0x15];
	[sflag:s1] =	ssyncadd.s32 $0xFFFFF000  }
0xf3: {  	[hbm4b:s10+s3] =	stream.linear.scatter [tilespmem:s16], [sflag:$0x12], $0x1000, $0x38;
	[tilespmem:$0xA100] =	vst v63  }
0xf4: {  	_ =	swait.ge [sflag:s4], $0x1000  }
0xf5: {  	[sflag:s4] =	ssyncset.done $0x0  }
0xf6: {  	s11 =	rddreg [dreg:$0x16];
	[sflag:s4] =	ssyncadd.s32 $0xFFFFF000  }
0xf7: {  	[hbm4b:s11+s3] =	stream.linear.scatter [tilespmem:s8], [sflag:$0x12], $0x1000, $0x38;
	[tilespmem:$0xA100] =	vst v63  }
0xf8: {  	_ =	swait.ge [sflag:s5], $0x1000  }
0xf9: {  	[sflag:s5] =	ssyncset.done $0x0  }
0xfa: {  	[sflag:s5] =	ssyncadd.s32 $0xFFFFF000  }
0xfb: {  	_ =	swait.ge [sflag:s5], $0x1000  }
0xfc: {  	[sflag:s5] =	ssyncset.done $0x0  }
0xfd: {  	[sflag:s5] =	ssyncadd.s32 $0xFFFFF000  }
0xfe: {  	_ =	swait.ge [sflag:s5], $0x1000  }
0xff: {  	[sflag:s5] =	ssyncset.done $0x0  }
0x100: {  	[sflag:s5] =	ssyncadd.s32 $0xFFFFF000  }
0x101: {  	_ =	swait.ge [sflag:s5], $0x1000  }
0x102: {  	[sflag:s5] =	ssyncset.done $0x0  }
0x103: {  	[sflag:s5] =	ssyncadd.s32 $0xFFFFF000  }
0x104: {  	_ =	swait.ge [sflag:s5], $0x1000  }
0x105: {  	[sflag:s5] =	ssyncset.done $0x0  }
0x106: {  	[sflag:s5] =	ssyncadd.s32 $0xFFFFF000  }
0x107: {  	_ =	swait.ge [sflag:s5], $0x1000  }
0x108: {  	p0 =	sne.s32 s6, $0x1;
	[sflag:s5] =	ssyncset.done $0x0  }
.Ltmp1:
0x109: {  	[sflag:s5] =	ssyncadd.s32 $0xFFFFF000;
	(pc) =	sbr.rel @p0 .LBB2_2-.Ltmp1, $4  }
0x10a: {  	_ =	swait.ge [sflag:s5], $0x1000  }
0x10b: {  	[sflag:s5] =	ssyncset.done $0x0  }
0x10c: {  	[sflag:s5] =	ssyncadd.s32 $0xFFFFF000  }
0x10d: {  	s6 =	sadd.s32 $0xFFFFFFFF, s6;
	_ =	swait.ge [sflag:s5], $0x1000  }
.LBB2_3:
0x10e: {  	[sflag:s5] =	ssyncset.done $0x0  }
0x10f: {  	[sflag:s5] =	ssyncadd.s32 $0xFFFFF000  }
0x110: {  	_ =	sfence.sel $0x180000  }
0x111: {  	[bflag:$0x0] =	sbarrier.arrive $0xFFFF  }
0x112: {  	_ =	strace $0x90000047  }
0x113: {  	s0 =	stileid.u32;
	[bflag:$0x2] =	sbarrier.arrive $0xFFFF  }
0x114: {  	p0 =	sne.s32 s0, $0x0;
	s0 =	rddreg [dreg:$0x5]  }
0x115: {  	s0 =	sadd.s32 @!p0 $0x100000, s0  }
0x116: {  	[sflag:s0] =	ssyncadd.tile.s32 @!p0 $0x1;
	_ =	shalt  }
.Lfunc_end2:
_tile_overlayer_lowered:
.L_overlay_start_2:
0x117: {  	(tag) =	ssettag $0x2  }
0x118: {  	s0 =	rddreg [dreg:$0x0];
	s2 =	stileid.u32  }
0x119: {  	s1 =	rddreg [dreg:$0x1];
	p0 =	sne.s32 s2, $0x0  }
0x11a: {  	s3 =	rddreg [dreg:$0x2];
	[bflag:$0x3] =	sbarrier.arrive $0xFFFF;
	s2 =	simm.s32 @!p0 $0x1C13  }
0x11b: {  	[timem:s3], [sflag:s2] =	dma.local @!p0 [hbm:s0], s1  }
0x11c: {  	s0 =	simm.s32 @!p0 $0x13  }
0x11d: {  	_ =	swait.ge @!p0 [sflag:s0], s1  }
0x11e: {  	s1 =	ssub.s32 @!p0 $0x0, s1;
	[sflag:s0] =	ssyncset.done @!p0 $0x0  }
0x11f: {  	[sflag:s0] =	ssyncadd.s32 @!p0 s1  }
0x120: {  	[bflag:$0x3] =	sbarrier.arrive $0xFFFF  }
0x121: {  	_ =	shalt  }

</sc_bundles>
